<compile_context>
chip_gen: v7x
topology: tpu7x:2x2x1
jax: 0.10.2.dev20260603
libtpu: 0.0.44.dev20260713+nightly
codegen_flags: <defaults>
</compile_context>

<pallas_src>
import functools

import jax
import jax.numpy as jnp
from jax import lax
from jax.experimental import pallas as pl
from jax.experimental.pallas import tpu as pltpu
from jax.experimental.pallas import tpu_sc as plsc

N = 10000
E = 320000
D = 128
C = 45
H = D // 2

NS = 16
B = 128
K = 2
CPT = 158
E_PAD = NS * CPT * B
ROWS_PER_TILE = 640
N_PAD = NS * ROWS_PER_TILE

_mesh = plsc.VectorSubcoreMesh(core_axis_name="c", subcore_axis_name="s")


def _make_sc_agg(with_deg):
    out_type = [pltpu.MemorySpace.HBM((2, N_PAD, H), jnp.float32)]
    scratch = [
        pltpu.VMEM((CPT + 1, B), jnp.int32),
        pltpu.VMEM((CPT + 1, B), jnp.int32),
        pltpu.VMEM((B, H), jnp.float32),
        pltpu.VMEM((B, H), jnp.float32),
        pltpu.VMEM((B, H), jnp.float32),
        pltpu.VMEM_SHARED((N_PAD, H), jnp.float32),
        pltpu.SemaphoreType.DMA,
        pltpu.SemaphoreType.DMA,
        pltpu.SemaphoreType.DMA,
        pltpu.SemaphoreType.DMA,
    ]
    if with_deg:
        out_type.append(pltpu.MemorySpace.HBM((N_PAD, 16), jnp.float32))
        scratch += [
            pltpu.VMEM((B, 16), jnp.float32),
            pltpu.VMEM((B, 16), jnp.float32),
            pltpu.VMEM_SHARED((N_PAD, 16), jnp.float32),
        ]

    def body(h_hbm, src_hbm, dst_hbm, *rest):
        if with_deg:
            (agg_out, deg_out, src_vm, dst_vm, *mid,
             z16, o16, deg_sh) = rest
        else:
            (agg_out, src_vm, dst_vm, *mid,) = rest
        rows = mid[:2]
        zrow, agg_sh = mid[2], mid[3]
        gsems = mid[4:6]
        ssems = mid[6:8]
        cid = lax.axis_index("c")
        sid = lax.axis_index("s")

        zv = jnp.zeros((16,), jnp.float32)
        ov = jnp.ones((16,), jnp.float32)

        def initb(r, carry):
            for c in range(H // 16):
                zrow[r, pl.ds(c * 16, 16)] = zv
            if with_deg:
                z16[r, pl.ds(0, 16)] = zv
                o16[r, pl.ds(0, 16)] = ov
            return carry

        lax.fori_loop(0, B, initb, 0)

        pltpu.sync_copy(src_hbm.at[sid], src_vm)
        pltpu.sync_copy(dst_hbm.at[sid], dst_vm)

        row0 = sid * ROWS_PER_TILE

        def zb(i, carry):
            b = row0 + i * B
            pltpu.sync_copy(zrow, agg_sh.at[pl.ds(b, B)])
            if with_deg:
                pltpu.sync_copy(z16, deg_sh.at[pl.ds(b, B)])
            return carry

        lax.fori_loop(0, ROWS_PER_TILE // B, zb, 0)
        plsc.subcore_barrier()

        for t in range(2):
            pltpu.async_copy(zrow, agg_sh.at[dst_vm.at[t]], ssems[t],
                             add=True)
            if with_deg:
                pltpu.async_copy(z16, deg_sh.at[dst_vm.at[t]], ssems[t],
                                 add=True)

        def drain(t):
            pltpu.make_async_copy(agg_out.at[cid, pl.ds(0, B)], rows[t],
                                  ssems[t]).wait()
            if with_deg:
                pltpu.make_async_copy(h_hbm.at[cid].at[pl.ds(0, B)],
                                      o16, ssems[t]).wait()

        def group(j, carry):
            i0 = j * 2
            drain(0)
            drain(1)
            gs = [pltpu.async_copy(h_hbm.at[cid].at[src_vm.at[i0 + t]],
                                   rows[t], gsems[t]) for t in range(2)]
            for t in range(2):
                gs[t].wait()
                pltpu.async_copy(rows[t], agg_sh.at[dst_vm.at[i0 + t]],
                                 ssems[t], add=True)
                if with_deg:
                    pltpu.async_copy(o16, deg_sh.at[dst_vm.at[i0 + t]],
                                     ssems[t], add=True)
            return carry

        lax.fori_loop(0, CPT // 2, group, 0)
        drain(0)
        drain(1)
        plsc.subcore_barrier()

        def ob(i, carry):
            b = row0 + i * B
            pltpu.sync_copy(agg_sh.at[pl.ds(b, B)], agg_out.at[cid, pl.ds(b, B)])
            return carry

        lax.fori_loop(0, ROWS_PER_TILE // B, ob, 0)
        if with_deg:
            @pl.when(cid == 0)
            def _():
                pltpu.sync_copy(deg_sh.at[pl.ds(row0, ROWS_PER_TILE)],
                                deg_out.at[pl.ds(row0, ROWS_PER_TILE)])

    return pl.kernel(
        body, mesh=_mesh, out_type=out_type, scratch_types=scratch,
        compiler_params=pltpu.CompilerParams(use_tc_tiling_on_sc=False))


_sc_agg_deg = _make_sc_agg(True)
_sc_agg = _make_sc_agg(False)


BN = 1000


def _elu(z):
    return jnp.where(z > 0, z, jnp.exp(jnp.minimum(z, 0.0)) - 1.0)


def _layer_body(h_ref, agg_ref, deg_ref, ws_ref, wn_ref, out_ref):
    h = jnp.concatenate([h_ref[0], h_ref[1]], axis=1)
    agg = jnp.concatenate([agg_ref[0], agg_ref[1]], axis=1)
    deg = deg_ref[:, 0:1]
    mean = agg / jnp.maximum(deg, 1.0)
    z = (jnp.dot(h, ws_ref[...], preferred_element_type=jnp.float32)
         + jnp.dot(mean, wn_ref[...], preferred_element_type=jnp.float32))
    z = _elu(z)
    out_ref[0] = z[:, :H]
    out_ref[1] = z[:, H:]


def _layer(h_split, aggp, degp, Ws, Wn):
    return pl.pallas_call(
        _layer_body,
        grid=(N // BN,),
        in_specs=[
            pl.BlockSpec((2, BN, H), lambda i: (0, i, 0)),
            pl.BlockSpec((2, BN, H), lambda i: (0, i, 0)),
            pl.BlockSpec((BN, 16), lambda i: (i, 0)),
            pl.BlockSpec((D, D), lambda i: (0, 0)),
            pl.BlockSpec((D, D), lambda i: (0, 0)),
        ],
        out_specs=pl.BlockSpec((2, BN, H), lambda i: (0, i, 0)),
        out_shape=jax.ShapeDtypeStruct((2, N, H), jnp.float32),
    )(h_split, aggp, degp, Ws, Wn)


def _head_body(h_ref, wp_ref, bp_ref, w1_ref, b1_ref, w2_ref, b2_ref, tgt_ref,
               loss_ref, pred_ref):
    h = jnp.concatenate([h_ref[0], h_ref[1]], axis=1)
    emb = jnp.dot(h, wp_ref[...], preferred_element_type=jnp.float32) + bp_ref[...]
    t = _elu(jnp.dot(emb, w1_ref[...], preferred_element_type=jnp.float32) + b1_ref[...])
    logits = jnp.dot(t, w2_ref[...], preferred_element_type=jnp.float32) + b2_ref[...]
    col = lax.broadcasted_iota(jnp.int32, (BN, 128), 1)
    lm = jnp.where(col < C, logits, jnp.float32(-1e30))
    m = jnp.max(lm, axis=1, keepdims=True)
    lse = jnp.log(jnp.sum(jnp.exp(lm - m), axis=1, keepdims=True))
    tgt = tgt_ref[...]
    val = jnp.sum(jnp.where(col == tgt, lm, 0.0), axis=1, keepdims=True)
    part = -jnp.sum(val - m - lse, keepdims=True) * (1.0 / N)

    @pl.when(pl.program_id(0) == 0)
    def _():
        loss_ref[...] = jnp.zeros((1, 1), jnp.float32)

    loss_ref[...] += part
    pred_ref[...] = jnp.min(jnp.where(lm == m, col, 128), axis=1, keepdims=True)


def _head(h2_split, Wp, bp, W1, b1, W2p, b2p, tgt):
    return pl.pallas_call(
        _head_body,
        grid=(N // BN,),
        in_specs=[
            pl.BlockSpec((2, BN, H), lambda i: (0, i, 0)),
            pl.BlockSpec((D, D), lambda i: (0, 0)),
            pl.BlockSpec((1, D), lambda i: (0, 0)),
            pl.BlockSpec((D, D), lambda i: (0, 0)),
            pl.BlockSpec((1, D), lambda i: (0, 0)),
            pl.BlockSpec((D, 128), lambda i: (0, 0)),
            pl.BlockSpec((1, 128), lambda i: (0, 0)),
            pl.BlockSpec((BN, 1), lambda i: (i, 0)),
        ],
        out_specs=[
            pl.BlockSpec((1, 1), lambda i: (0, 0)),
            pl.BlockSpec((BN, 1), lambda i: (i, 0)),
        ],
        out_shape=[
            jax.ShapeDtypeStruct((1, 1), jnp.float32),
            jax.ShapeDtypeStruct((N, 1), jnp.int32),
        ],
    )(h2_split, Wp, bp, W1, b1, W2p, b2p, tgt)


def kernel(x, edge_index, tgt_tags, Ws1, Wn1, Ws2, Wn2, Wp, bp, W1, b1, W2, b2):
    src = edge_index[0]
    dst = edge_index[1]
    pad = E_PAD - E
    src_p = jnp.concatenate([src, jnp.zeros((pad,), jnp.int32)]).reshape(NS, CPT, B)
    pad_dst = N + (jnp.arange(pad, dtype=jnp.int32) % (N_PAD - N - 8))
    dst_p = jnp.concatenate([dst, pad_dst]).reshape(NS, CPT, B)
    src_p = jnp.concatenate([src_p, jnp.zeros((NS, 1, B), jnp.int32)], axis=1)
    dst_p = jnp.concatenate([dst_p, jnp.full((NS, 1, B), N, jnp.int32)], axis=1)
    x_split = x.reshape(N, 2, H).transpose(1, 0, 2)

    aggp1, degp = _sc_agg_deg(x_split, src_p, dst_p)
    h1 = _layer(x_split, aggp1, degp, Ws1, Wn1)
    aggp2 = _sc_agg(h1, src_p, dst_p)
    if isinstance(aggp2, (list, tuple)):
        aggp2 = aggp2[0]
    h2 = _layer(h1, aggp2, degp, Ws2, Wn2)

    W2p = jnp.pad(W2, ((0, 0), (0, 128 - C)))
    b2p = jnp.pad(b2, (0, 128 - C))
    loss_m, pred_m = _head(h2, Wp, bp.reshape(1, D), W1, b1.reshape(1, D),
                           W2p, b2p.reshape(1, 128), tgt_tags.reshape(N, 1))
    return loss_m[0, 0], pred_m.reshape(N)

# --- scband reference (transcript-rebuilt; emitter-appended) ---
"""Pipeline reference for scband-word2tag-19172734010115 (READ-ONLY COPY).

The authoritative reference and input builder live on the scoring server;
editing this copy changes nothing except your own understanding.
"""

import jax, jax.numpy as jnp
import numpy as np

N = 10000
E = 320000
D = 128
C = 45


def setup_inputs(seed: int = 0) -> dict:
    key = jax.random.key(seed)
    ks = jax.random.split(key, 16)
    s = 1.0 / np.sqrt(D)
    x = jax.random.normal(ks[0], (N, D), dtype=jnp.float32)
    edge_index = jax.random.randint(ks[1], (2, E), 0, N, dtype=jnp.int32)
    tgt_tags = jax.random.randint(ks[2], (N,), 0, C, dtype=jnp.int32)
    # GraphSAGE (mean aggregator) layer weights, 2 layers
    Ws1 = jax.random.normal(ks[3], (D, D), dtype=jnp.float32) * s
    Wn1 = jax.random.normal(ks[4], (D, D), dtype=jnp.float32) * s
    Ws2 = jax.random.normal(ks[5], (D, D), dtype=jnp.float32) * s
    Wn2 = jax.random.normal(ks[6], (D, D), dtype=jnp.float32) * s
    # SentenceBiLSTMCRF head: prediction feed-forward + linear1 + linear1_
    Wp = jax.random.normal(ks[7], (D, D), dtype=jnp.float32) * s
    bp = jnp.zeros((D,), dtype=jnp.float32)
    W1 = jax.random.normal(ks[8], (D, D), dtype=jnp.float32) * s
    b1 = jnp.zeros((D,), dtype=jnp.float32)
    W2 = jax.random.normal(ks[9], (D, C), dtype=jnp.float32) * s
    b2 = jnp.zeros((C,), dtype=jnp.float32)
    return {"x": x, "edge_index": edge_index, "tgt_tags": tgt_tags,
            "Ws1": Ws1, "Wn1": Wn1, "Ws2": Ws2, "Wn2": Wn2,
            "Wp": Wp, "bp": bp, "W1": W1, "b1": b1, "W2": W2, "b2": b2}


def _sage_layer(h, src, dst, Ws, Wn):
    # mean aggregator: gather neighbor feats along edges, scatter-add to dst
    msg = jnp.take(h, src, axis=0)
    agg = jax.ops.segment_sum(msg, dst, num_segments=N)
    deg = jax.ops.segment_sum(jnp.ones((E, 1), dtype=jnp.float32), dst, num_segments=N)
    mean = agg / jnp.maximum(deg, 1.0)
    return jax.nn.elu(h @ Ws + mean @ Wn)


def reference(x, edge_index, tgt_tags, Ws1, Wn1, Ws2, Wn2, Wp, bp, W1, b1, W2, b2):
    src = edge_index[0]
    dst = edge_index[1]
    # GNN message passing (GraphSAGE, mean aggregator, 2 layers, elu activation)
    h = _sage_layer(x, src, dst, Ws1, Wn1)
    h = _sage_layer(h, src, dst, Ws2, Wn2)
    # SentenceBiLSTMCRF head (dropout is identity at eval)
    emb = h @ Wp + bp
    logits = jax.nn.elu(emb @ W1 + b1) @ W2 + b2
    logp = jax.nn.log_softmax(logits, axis=1)
    # NLLLoss (mean reduction)
    loss = -jnp.mean(jnp.take_along_axis(logp, tgt_tags[:, None].astype(jnp.int32), axis=1))
    # logits2tag
    pred_tags = jnp.argmax(logits, axis=-1)
    return (loss, pred_tags)

if __name__ == "__main__":
    import jax
    _d = setup_inputs()
    print(jax.jit(kernel)(*tuple(_d.values())))

</pallas_src>

<mosaic_0001>
#map = affine_map<(d0, d1) -> (0, 0, 0)>
#map1 = affine_map<(d0, d1) -> (0, 0)>
module attributes {stable_mosaic.version = 14 : i64} {
  func.func @body(%arg0: i32, %arg1: i32, %arg2: memref<2x10000x64xf32, #tpu.memory_space<hbm>>, %arg3: memref<16x159x128xi32, #tpu.memory_space<hbm>>, %arg4: memref<16x159x128xi32, #tpu.memory_space<hbm>>, %arg5: memref<2x10240x64xf32, #tpu.memory_space<hbm>>, %arg6: memref<10240x16xf32, #tpu.memory_space<hbm>>, %arg7: memref<159x128xi32, #tpu.memory_space<vmem>>, %arg8: memref<159x128xi32, #tpu.memory_space<vmem>>, %arg9: memref<128x64xf32, #tpu.memory_space<vmem>>, %arg10: memref<128x64xf32, #tpu.memory_space<vmem>>, %arg11: memref<128x64xf32, #tpu.memory_space<vmem>>, %arg12: memref<10240x64xf32, #tpu.memory_space<vmem_shared>>, %arg13: memref<!tpu.dma_semaphore, #tpu.memory_space<semaphore_mem>>, %arg14: memref<!tpu.dma_semaphore, #tpu.memory_space<semaphore_mem>>, %arg15: memref<!tpu.dma_semaphore, #tpu.memory_space<semaphore_mem>>, %arg16: memref<!tpu.dma_semaphore, #tpu.memory_space<semaphore_mem>>, %arg17: memref<128x16xf32, #tpu.memory_space<vmem>>, %arg18: memref<128x16xf32, #tpu.memory_space<vmem>>, %arg19: memref<10240x16xf32, #tpu.memory_space<vmem_shared>>) attributes {dimension_semantics = [#tpu.dimension_semantics<core_parallel>, #tpu.dimension_semantics<subcore_parallel>], iteration_bounds = array<i64: 2, 16>, scalar_prefetch = 0 : i64, scratch_operands = 13 : i64, tpu.core_type = #tpu.core_type<sc_vector_subcore>, window_params = [{transform_indices = #map}, {transform_indices = #map}, {transform_indices = #map}, {transform_indices = #map}, {transform_indices = #map1}]} {
    %broadcast_in_dim3A = arith.constant 0.000000e+00 : f32
    %broadcast_in_dim3A_0 = vector.broadcast %broadcast_in_dim3A : f32 to vector<16xf32>
    %broadcast_in_dim3A_1 = arith.constant 1.000000e+00 : f32
    %broadcast_in_dim3A_2 = vector.broadcast %broadcast_in_dim3A_1 : f32 to vector<16xf32>
    %scan3A = arith.constant 0 : i32
    %scan3A_3 = arith.constant 0 : i32
    %scan3A_4 = arith.constant 128 : i32
    %scan3A_5 = arith.addi %scan3A_3, %scan3A_4 : i32
    %scan3A_6 = arith.constant 1 : i32
    scf.for %scan3A_100 = %scan3A_3 to %scan3A_5 step %scan3A_6  : i32 {
      %swap3A = arith.index_cast %scan3A_100 : i32 to index
      %swap3A_101 = arith.constant 0 : index
      %swap3A_102 = tpu.vector_load %arg11[%swap3A, %swap3A_101] {strides = array<i32>} : memref<128x64xf32, #tpu.memory_space<vmem>>, vector<1x16xf32>,
      %swap3A_103 = vector.shape_cast %swap3A_102 : vector<1x16xf32> to vector<16xf32>
      %swap3A_104 = vector.shape_cast %broadcast_in_dim3A_0 : vector<16xf32> to vector<1x16xf32>
      tpu.vector_store %arg11[%swap3A, %swap3A_101], %swap3A_104 {strides = array<i32>} : memref<128x64xf32, #tpu.memory_space<vmem>>, vector<1x16xf32>,
      %swap3A_105 = arith.index_cast %scan3A_100 : i32 to index
      %swap3A_106 = arith.constant 16 : index
      %swap3A_107 = tpu.vector_load %arg11[%swap3A_105, %swap3A_106] {strides = array<i32>} : memref<128x64xf32, #tpu.memory_space<vmem>>, vector<1x16xf32>,
      %swap3A_108 = vector.shape_cast %swap3A_107 : vector<1x16xf32> to vector<16xf32>
      %swap3A_109 = vector.shape_cast %broadcast_in_dim3A_0 : vector<16xf32> to vector<1x16xf32>
      tpu.vector_store %arg11[%swap3A_105, %swap3A_106], %swap3A_109 {strides = array<i32>} : memref<128x64xf32, #tpu.memory_space<vmem>>, vector<1x16xf32>,
      %swap3A_110 = arith.index_cast %scan3A_100 : i32 to index
      %swap3A_111 = arith.constant 32 : index
      %swap3A_112 = tpu.vector_load %arg11[%swap3A_110, %swap3A_111] {strides = array<i32>} : memref<128x64xf32, #tpu.memory_space<vmem>>, vector<1x16xf32>,
      %swap3A_113 = vector.shape_cast %swap3A_112 : vector<1x16xf32> to vector<16xf32>
      %swap3A_114 = vector.shape_cast %broadcast_in_dim3A_0 : vector<16xf32> to vector<1x16xf32>
      tpu.vector_store %arg11[%swap3A_110, %swap3A_111], %swap3A_114 {strides = array<i32>} : memref<128x64xf32, #tpu.memory_space<vmem>>, vector<1x16xf32>,
      %swap3A_115 = arith.index_cast %scan3A_100 : i32 to index
      %swap3A_116 = arith.constant 48 : index
      %swap3A_117 = tpu.vector_load %arg11[%swap3A_115, %swap3A_116] {strides = array<i32>} : memref<128x64xf32, #tpu.memory_space<vmem>>, vector<1x16xf32>,
      %swap3A_118 = vector.shape_cast %swap3A_117 : vector<1x16xf32> to vector<16xf32>
      %swap3A_119 = vector.shape_cast %broadcast_in_dim3A_0 : vector<16xf32> to vector<1x16xf32>
      tpu.vector_store %arg11[%swap3A_115, %swap3A_116], %swap3A_119 {strides = array<i32>} : memref<128x64xf32, #tpu.memory_space<vmem>>, vector<1x16xf32>,
      %swap3A_120 = arith.index_cast %scan3A_100 : i32 to index
      %swap3A_121 = arith.constant 0 : index
      %swap3A_122 = tpu.vector_load %arg17[%swap3A_120, %swap3A_121] {strides = array<i32>} : memref<128x16xf32, #tpu.memory_space<vmem>>, vector<1x16xf32>,
      %swap3A_123 = vector.shape_cast %swap3A_122 : vector<1x16xf32> to vector<16xf32>
      %swap3A_124 = vector.shape_cast %broadcast_in_dim3A_0 : vector<16xf32> to vector<1x16xf32>
      tpu.vector_store %arg17[%swap3A_120, %swap3A_121], %swap3A_124 {strides = array<i32>} : memref<128x16xf32, #tpu.memory_space<vmem>>, vector<1x16xf32>,
      %swap3A_125 = arith.index_cast %scan3A_100 : i32 to index
      %swap3A_126 = arith.constant 0 : index
      %swap3A_127 = tpu.vector_load %arg18[%swap3A_125, %swap3A_126] {strides = array<i32>} : memref<128x16xf32, #tpu.memory_space<vmem>>, vector<1x16xf32>,
      %swap3A_128 = vector.shape_cast %swap3A_127 : vector<1x16xf32> to vector<16xf32>
      %swap3A_129 = vector.shape_cast %broadcast_in_dim3A_2 : vector<16xf32> to vector<1x16xf32>
      tpu.vector_store %arg18[%swap3A_125, %swap3A_126], %swap3A_129 {strides = array<i32>} : memref<128x16xf32, #tpu.memory_space<vmem>>, vector<1x16xf32>,
    }
    %scan3A_7 = arith.constant 128 : i32
    "tpu.region"() ({
      %run_scoped3A = tpu.sem_alloc : memref<!tpu.dma_semaphore, #tpu.memory_space<semaphore_mem>>
      %dma_start3A_100 = arith.constant 0 : i32
      %dma_start3A_101 = arith.constant 0 : i32
      %dma_start3A_102 = tpu.memref_slice %arg3[%arg1, %dma_start3A_100, %dma_start3A_101] : memref<16x159x128xi32, #tpu.memory_space<hbm>> -> memref<1x159x128xi32, #tpu.memory_space<hbm>>
      %dma_start3A_103 = tpu.memref_squeeze %dma_start3A_102 : memref<1x159x128xi32, #tpu.memory_space<hbm>> -> memref<159x128xi32, #tpu.memory_space<hbm>>
      %dma_start3A_104 = arith.constant 0 : i32
      %dma_start3A_105 = arith.constant 0 : i32
      %dma_start3A_106 = tpu.memref_slice %arg3[%arg1, %dma_start3A_104, %dma_start3A_105] : memref<16x159x128xi32, #tpu.memory_space<hbm>> -> memref<1x159x128xi32, #tpu.memory_space<hbm>>
      %dma_start3A_107 = tpu.memref_squeeze %dma_start3A_106 : memref<1x159x128xi32, #tpu.memory_space<hbm>> -> memref<159x128xi32, #tpu.memory_space<hbm>>
      tpu.enqueue_dma source(%dma_start3A_107 : memref<159x128xi32, #tpu.memory_space<hbm>>) target(%arg7 : memref<159x128xi32, #tpu.memory_space<vmem>>) target_semaphore(%run_scoped3A : memref<!tpu.dma_semaphore, #tpu.memory_space<semaphore_mem>>)
      %dma_wait3A_108 = arith.constant 0 : i32
      %dma_wait3A_109 = arith.constant 0 : i32
      %dma_wait3A_110 = tpu.memref_slice %arg3[%arg1, %dma_wait3A_108, %dma_wait3A_109] : memref<16x159x128xi32, #tpu.memory_space<hbm>> -> memref<1x159x128xi32, #tpu.memory_space<hbm>>
      %dma_wait3A_111 = tpu.memref_squeeze %dma_wait3A_110 : memref<1x159x128xi32, #tpu.memory_space<hbm>> -> memref<159x128xi32, #tpu.memory_space<hbm>>
      %dma_wait3A_112 = arith.constant 0 : i32
      %dma_wait3A_113 = arith.constant 0 : i32
      %dma_wait3A_114 = tpu.memref_slice %arg3[%arg1, %dma_wait3A_112, %dma_wait3A_113] : memref<16x159x128xi32, #tpu.memory_space<hbm>> -> memref<1x159x128xi32, #tpu.memory_space<hbm>>
      %dma_wait3A_115 = tpu.memref_squeeze %dma_wait3A_114 : memref<1x159x128xi32, #tpu.memory_space<hbm>> -> memref<159x128xi32, #tpu.memory_space<hbm>>
      tpu.wait_dma2 semaphore(%run_scoped3A : memref<!tpu.dma_semaphore, #tpu.memory_space<semaphore_mem>>) src(%dma_wait3A_115 : memref<159x128xi32, #tpu.memory_space<hbm>>) dst(%arg7 : memref<159x128xi32, #tpu.memory_space<vmem>>)
      tpu.yield
    }) : () -> ()
    "tpu.region"() ({
      %run_scoped3A = tpu.sem_alloc : memref<!tpu.dma_semaphore, #tpu.memory_space<semaphore_mem>>
      %dma_start3A_100 = arith.constant 0 : i32
      %dma_start3A_101 = arith.constant 0 : i32
      %dma_start3A_102 = tpu.memref_slice %arg4[%arg1, %dma_start3A_100, %dma_start3A_101] : memref<16x159x128xi32, #tpu.memory_space<hbm>> -> memref<1x159x128xi32, #tpu.memory_space<hbm>>
      %dma_start3A_103 = tpu.memref_squeeze %dma_start3A_102 : memref<1x159x128xi32, #tpu.memory_space<hbm>> -> memref<159x128xi32, #tpu.memory_space<hbm>>
      %dma_start3A_104 = arith.constant 0 : i32
      %dma_start3A_105 = arith.constant 0 : i32
      %dma_start3A_106 = tpu.memref_slice %arg4[%arg1, %dma_start3A_104, %dma_start3A_105] : memref<16x159x128xi32, #tpu.memory_space<hbm>> -> memref<1x159x128xi32, #tpu.memory_space<hbm>>
      %dma_start3A_107 = tpu.memref_squeeze %dma_start3A_106 : memref<1x159x128xi32, #tpu.memory_space<hbm>> -> memref<159x128xi32, #tpu.memory_space<hbm>>
      tpu.enqueue_dma source(%dma_start3A_107 : memref<159x128xi32, #tpu.memory_space<hbm>>) target(%arg8 : memref<159x128xi32, #tpu.memory_space<vmem>>) target_semaphore(%run_scoped3A : memref<!tpu.dma_semaphore, #tpu.memory_space<semaphore_mem>>)
      %dma_wait3A_108 = arith.constant 0 : i32
      %dma_wait3A_109 = arith.constant 0 : i32
      %dma_wait3A_110 = tpu.memref_slice %arg4[%arg1, %dma_wait3A_108, %dma_wait3A_109] : memref<16x159x128xi32, #tpu.memory_space<hbm>> -> memref<1x159x128xi32, #tpu.memory_space<hbm>>
      %dma_wait3A_111 = tpu.memref_squeeze %dma_wait3A_110 : memref<1x159x128xi32, #tpu.memory_space<hbm>> -> memref<159x128xi32, #tpu.memory_space<hbm>>
      %dma_wait3A_112 = arith.constant 0 : i32
      %dma_wait3A_113 = arith.constant 0 : i32
      %dma_wait3A_114 = tpu.memref_slice %arg4[%arg1, %dma_wait3A_112, %dma_wait3A_113] : memref<16x159x128xi32, #tpu.memory_space<hbm>> -> memref<1x159x128xi32, #tpu.memory_space<hbm>>
      %dma_wait3A_115 = tpu.memref_squeeze %dma_wait3A_114 : memref<1x159x128xi32, #tpu.memory_space<hbm>> -> memref<159x128xi32, #tpu.memory_space<hbm>>
      tpu.wait_dma2 semaphore(%run_scoped3A : memref<!tpu.dma_semaphore, #tpu.memory_space<semaphore_mem>>) src(%dma_wait3A_115 : memref<159x128xi32, #tpu.memory_space<hbm>>) dst(%arg8 : memref<159x128xi32, #tpu.memory_space<vmem>>)
      tpu.yield
    }) : () -> ()
    %mul3A = arith.constant 640 : i32
    %mul3A_8 = arith.muli %arg1, %mul3A : i32
    %scan3A_9 = arith.constant 0 : i32
    %scan3A_10 = arith.constant 0 : i32
    %scan3A_11 = arith.constant 5 : i32
    %scan3A_12 = arith.addi %scan3A_10, %scan3A_11 : i32
    %scan3A_13 = arith.constant 1 : i32
    scf.for %scan3A_100 = %scan3A_10 to %scan3A_12 step %scan3A_13  : i32 {
      %mul3A_101 = arith.constant 128 : i32
      %mul3A_102 = arith.muli %scan3A_100, %mul3A_101 : i32
      %add3A = arith.addi %mul3A_8, %mul3A_102 : i32
      "tpu.region"() ({
        %run_scoped3A = tpu.sem_alloc : memref<!tpu.dma_semaphore, #tpu.memory_space<semaphore_mem>>
        %dma_start3A_103 = arith.constant 0 : i32
        %dma_start3A_104 = tpu.memref_slice %arg12[%add3A, %dma_start3A_103] : memref<10240x64xf32, #tpu.memory_space<vmem_shared>> -> memref<128x64xf32, #tpu.memory_space<vmem_shared>>
        %dma_start3A_105 = arith.constant 0 : i32
        %dma_start3A_106 = tpu.memref_slice %arg12[%add3A, %dma_start3A_105] : memref<10240x64xf32, #tpu.memory_space<vmem_shared>> -> memref<128x64xf32, #tpu.memory_space<vmem_shared>>
        tpu.enqueue_dma source(%arg11 : memref<128x64xf32, #tpu.memory_space<vmem>>) target(%dma_start3A_106 : memref<128x64xf32, #tpu.memory_space<vmem_shared>>) target_semaphore(%run_scoped3A : memref<!tpu.dma_semaphore, #tpu.memory_space<semaphore_mem>>)
        %dma_wait3A_107 = arith.constant 0 : i32
        %dma_wait3A_108 = tpu.memref_slice %arg12[%add3A, %dma_wait3A_107] : memref<10240x64xf32, #tpu.memory_space<vmem_shared>> -> memref<128x64xf32, #tpu.memory_space<vmem_shared>>
        %dma_wait3A_109 = arith.constant 0 : i32
        %dma_wait3A_110 = tpu.memref_slice %arg12[%add3A, %dma_wait3A_109] : memref<10240x64xf32, #tpu.memory_space<vmem_shared>> -> memref<128x64xf32, #tpu.memory_space<vmem_shared>>
        tpu.wait_dma2 semaphore(%run_scoped3A : memref<!tpu.dma_semaphore, #tpu.memory_space<semaphore_mem>>) src(%arg11 : memref<128x64xf32, #tpu.memory_space<vmem>>) dst(%dma_wait3A_110 : memref<128x64xf32, #tpu.memory_space<vmem_shared>>)
        tpu.yield
      }) : () -> ()
      "tpu.region"() ({
        %run_scoped3A = tpu.sem_alloc : memref<!tpu.dma_semaphore, #tpu.memory_space<semaphore_mem>>
        %dma_start3A_103 = arith.constant 0 : i32
        %dma_start3A_104 = tpu.memref_slice %arg19[%add3A, %dma_start3A_103] : memref<10240x16xf32, #tpu.memory_space<vmem_shared>> -> memref<128x16xf32, #tpu.memory_space<vmem_shared>>
        %dma_start3A_105 = arith.constant 0 : i32
        %dma_start3A_106 = tpu.memref_slice %arg19[%add3A, %dma_start3A_105] : memref<10240x16xf32, #tpu.memory_space<vmem_shared>> -> memref<128x16xf32, #tpu.memory_space<vmem_shared>>
        tpu.enqueue_dma source(%arg17 : memref<128x16xf32, #tpu.memory_space<vmem>>) target(%dma_start3A_106 : memref<128x16xf32, #tpu.memory_space<vmem_shared>>) target_semaphore(%run_scoped3A : memref<!tpu.dma_semaphore, #tpu.memory_space<semaphore_mem>>)
        %dma_wait3A_107 = arith.constant 0 : i32
        %dma_wait3A_108 = tpu.memref_slice %arg19[%add3A, %dma_wait3A_107] : memref<10240x16xf32, #tpu.memory_space<vmem_shared>> -> memref<128x16xf32, #tpu.memory_space<vmem_shared>>
        %dma_wait3A_109 = arith.constant 0 : i32
        %dma_wait3A_110 = tpu.memref_slice %arg19[%add3A, %dma_wait3A_109] : memref<10240x16xf32, #tpu.memory_space<vmem_shared>> -> memref<128x16xf32, #tpu.memory_space<vmem_shared>>
        tpu.wait_dma2 semaphore(%run_scoped3A : memref<!tpu.dma_semaphore, #tpu.memory_space<semaphore_mem>>) src(%arg17 : memref<128x16xf32, #tpu.memory_space<vmem>>) dst(%dma_wait3A_110 : memref<128x16xf32, #tpu.memory_space<vmem_shared>>)
        tpu.yield
      }) : () -> ()
    }
    %scan3A_14 = arith.constant 5 : i32
    %barrier3A = arith.constant 0 : index
    tpu.barrier barrier_id(%barrier3A)
    %dma_start3A = arith.constant 0 : i32
    %dma_start3A_15 = arith.constant 0 : i32
    %dma_start3A_16 = tpu.memref_slice %arg8[%dma_start3A, %dma_start3A_15] : memref<159x128xi32, #tpu.memory_space<vmem>> -> memref<1x128xi32, #tpu.memory_space<vmem>>
    %dma_start3A_17 = tpu.memref_squeeze %dma_start3A_16 : memref<1x128xi32, #tpu.memory_space<vmem>> -> memref<128xi32, #tpu.memory_space<vmem>>
    %dma_start3A_18 = arith.constant 0 : i32
    %dma_start3A_19 = arith.constant 0 : i32
    %dma_start3A_20 = tpu.memref_slice %arg12[%dma_start3A_18, %dma_start3A_19] : memref<10240x64xf32, #tpu.memory_space<vmem_shared>> -> memref<10240x64xf32, #tpu.memory_space<vmem_shared>>
    tpu.enqueue_indirect_dma source(%arg11 : memref<128x64xf32, #tpu.memory_space<vmem>>) target(%dma_start3A_20 : memref<10240x64xf32, #tpu.memory_space<vmem_shared>>) offsets(%dma_start3A_17 : memref<128xi32, #tpu.memory_space<vmem>>) semaphore(%arg15 : memref<!tpu.dma_semaphore, #tpu.memory_space<semaphore_mem>>) {add = true}
    %dma_start3A_21 = arith.constant 0 : i32
    %dma_start3A_22 = arith.constant 0 : i32
    %dma_start3A_23 = tpu.memref_slice %arg8[%dma_start3A_21, %dma_start3A_22] : memref<159x128xi32, #tpu.memory_space<vmem>> -> memref<1x128xi32, #tpu.memory_space<vmem>>
    %dma_start3A_24 = tpu.memref_squeeze %dma_start3A_23 : memref<1x128xi32, #tpu.memory_space<vmem>> -> memref<128xi32, #tpu.memory_space<vmem>>
    %dma_start3A_25 = arith.constant 0 : i32
    %dma_start3A_26 = arith.constant 0 : i32
    %dma_start3A_27 = tpu.memref_slice %arg19[%dma_start3A_25, %dma_start3A_26] : memref<10240x16xf32, #tpu.memory_space<vmem_shared>> -> memref<10240x16xf32, #tpu.memory_space<vmem_shared>>
    tpu.enqueue_indirect_dma source(%arg17 : memref<128x16xf32, #tpu.memory_space<vmem>>) target(%dma_start3A_27 : memref<10240x16xf32, #tpu.memory_space<vmem_shared>>) offsets(%dma_start3A_24 : memref<128xi32, #tpu.memory_space<vmem>>) semaphore(%arg15 : memref<!tpu.dma_semaphore, #tpu.memory_space<semaphore_mem>>) {add = true}
    %dma_start3A_28 = arith.constant 1 : i32
    %dma_start3A_29 = arith.constant 0 : i32
    %dma_start3A_30 = tpu.memref_slice %arg8[%dma_start3A_28, %dma_start3A_29] : memref<159x128xi32, #tpu.memory_space<vmem>> -> memref<1x128xi32, #tpu.memory_space<vmem>>
    %dma_start3A_31 = tpu.memref_squeeze %dma_start3A_30 : memref<1x128xi32, #tpu.memory_space<vmem>> -> memref<128xi32, #tpu.memory_space<vmem>>
    %dma_start3A_32 = arith.constant 0 : i32
    %dma_start3A_33 = arith.constant 0 : i32
    %dma_start3A_34 = tpu.memref_slice %arg12[%dma_start3A_32, %dma_start3A_33] : memref<10240x64xf32, #tpu.memory_space<vmem_shared>> -> memref<10240x64xf32, #tpu.memory_space<vmem_shared>>
    tpu.enqueue_indirect_dma source(%arg11 : memref<128x64xf32, #tpu.memory_space<vmem>>) target(%dma_start3A_34 : memref<10240x64xf32, #tpu.memory_space<vmem_shared>>) offsets(%dma_start3A_31 : memref<128xi32, #tpu.memory_space<vmem>>) semaphore(%arg16 : memref<!tpu.dma_semaphore, #tpu.memory_space<semaphore_mem>>) {add = true}
    %dma_start3A_35 = arith.constant 1 : i32
    %dma_start3A_36 = arith.constant 0 : i32
    %dma_start3A_37 = tpu.memref_slice %arg8[%dma_start3A_35, %dma_start3A_36] : memref<159x128xi32, #tpu.memory_space<vmem>> -> memref<1x128xi32, #tpu.memory_space<vmem>>
    %dma_start3A_38 = tpu.memref_squeeze %dma_start3A_37 : memref<1x128xi32, #tpu.memory_space<vmem>> -> memref<128xi32, #tpu.memory_space<vmem>>
    %dma_start3A_39 = arith.constant 0 : i32
    %dma_start3A_40 = arith.constant 0 : i32
    %dma_start3A_41 = tpu.memref_slice %arg19[%dma_start3A_39, %dma_start3A_40] : memref<10240x16xf32, #tpu.memory_space<vmem_shared>> -> memref<10240x16xf32, #tpu.memory_space<vmem_shared>>
    tpu.enqueue_indirect_dma source(%arg17 : memref<128x16xf32, #tpu.memory_space<vmem>>) target(%dma_start3A_41 : memref<10240x16xf32, #tpu.memory_space<vmem_shared>>) offsets(%dma_start3A_38 : memref<128xi32, #tpu.memory_space<vmem>>) semaphore(%arg16 : memref<!tpu.dma_semaphore, #tpu.memory_space<semaphore_mem>>) {add = true}
    %scan3A_42 = arith.constant 0 : i32
    %scan3A_43 = arith.constant 0 : i32
    %scan3A_44 = arith.constant 79 : i32
    %scan3A_45 = arith.addi %scan3A_43, %scan3A_44 : i32
    %scan3A_46 = arith.constant 1 : i32
    scf.for %scan3A_100 = %scan3A_43 to %scan3A_45 step %scan3A_46  : i32 {
      %mul3A_101 = arith.constant 2 : i32
      %mul3A_102 = arith.muli %scan3A_100, %mul3A_101 : i32
      %dma_wait3A_103 = arith.constant 0 : i32
      %dma_wait3A_104 = arith.constant 0 : i32
      %dma_wait3A_105 = tpu.memref_slice %arg5[%arg0, %dma_wait3A_103, %dma_wait3A_104] : memref<2x10240x64xf32, #tpu.memory_space<hbm>> -> memref<1x128x64xf32, #tpu.memory_space<hbm>>
      %dma_wait3A_106 = tpu.memref_squeeze %dma_wait3A_105 : memref<1x128x64xf32, #tpu.memory_space<hbm>> -> memref<128x64xf32, #tpu.memory_space<hbm>>
      %dma_wait3A_107 = arith.constant 0 : i32
      %dma_wait3A_108 = arith.constant 0 : i32
      %dma_wait3A_109 = tpu.memref_slice %arg5[%arg0, %dma_wait3A_107, %dma_wait3A_108] : memref<2x10240x64xf32, #tpu.memory_space<hbm>> -> memref<1x128x64xf32, #tpu.memory_space<hbm>>
      %dma_wait3A_110 = tpu.memref_squeeze %dma_wait3A_109 : memref<1x128x64xf32, #tpu.memory_space<hbm>> -> memref<128x64xf32, #tpu.memory_space<hbm>>
      tpu.wait_dma2 semaphore(%arg15 : memref<!tpu.dma_semaphore, #tpu.memory_space<semaphore_mem>>) src(%dma_wait3A_110 : memref<128x64xf32, #tpu.memory_space<hbm>>) dst(%arg9 : memref<128x64xf32, #tpu.memory_space<vmem>>)
      %dma_wait3A_111 = arith.constant 0 : i32
      %dma_wait3A_112 = arith.constant 0 : i32
      %dma_wait3A_113 = tpu.memref_slice %arg2[%arg0, %dma_wait3A_111, %dma_wait3A_112] : memref<2x10000x64xf32, #tpu.memory_space<hbm>> -> memref<1x10000x64xf32, #tpu.memory_space<hbm>>
      %dma_wait3A_114 = tpu.memref_squeeze %dma_wait3A_113 : memref<1x10000x64xf32, #tpu.memory_space<hbm>> -> memref<10000x64xf32, #tpu.memory_space<hbm>>
      %dma_wait3A_115 = arith.constant 0 : i32
      %dma_wait3A_116 = arith.constant 0 : i32
      %dma_wait3A_117 = tpu.memref_slice %dma_wait3A_114[%dma_wait3A_115, %dma_wait3A_116] : memref<10000x64xf32, #tpu.memory_space<hbm>> -> memref<128x64xf32, #tpu.memory_space<hbm>>
      %dma_wait3A_118 = arith.constant 0 : i32
      %dma_wait3A_119 = arith.constant 0 : i32
      %dma_wait3A_120 = tpu.memref_slice %arg2[%arg0, %dma_wait3A_118, %dma_wait3A_119] : memref<2x10000x64xf32, #tpu.memory_space<hbm>> -> memref<1x10000x64xf32, #tpu.memory_space<hbm>>
      %dma_wait3A_121 = tpu.memref_squeeze %dma_wait3A_120 : memref<1x10000x64xf32, #tpu.memory_space<hbm>> -> memref<10000x64xf32, #tpu.memory_space<hbm>>
      %dma_wait3A_122 = arith.constant 0 : i32
      %dma_wait3A_123 = arith.constant 0 : i32
      %dma_wait3A_124 = tpu.memref_slice %dma_wait3A_121[%dma_wait3A_122, %dma_wait3A_123] : memref<10000x64xf32, #tpu.memory_space<hbm>> -> memref<128x64xf32, #tpu.memory_space<hbm>>
      tpu.wait_dma2 semaphore(%arg15 : memref<!tpu.dma_semaphore, #tpu.memory_space<semaphore_mem>>) src(%dma_wait3A_124 : memref<128x64xf32, #tpu.memory_space<hbm>>) dst(%arg18 : memref<128x16xf32, #tpu.memory_space<vmem>>)
      %dma_wait3A_125 = arith.constant 0 : i32
      %dma_wait3A_126 = arith.constant 0 : i32
      %dma_wait3A_127 = tpu.memref_slice %arg5[%arg0, %dma_wait3A_125, %dma_wait3A_126] : memref<2x10240x64xf32, #tpu.memory_space<hbm>> -> memref<1x128x64xf32, #tpu.memory_space<hbm>>
      %dma_wait3A_128 = tpu.memref_squeeze %dma_wait3A_127 : memref<1x128x64xf32, #tpu.memory_space<hbm>> -> memref<128x64xf32, #tpu.memory_space<hbm>>
      %dma_wait3A_129 = arith.constant 0 : i32
      %dma_wait3A_130 = arith.constant 0 : i32
      %dma_wait3A_131 = tpu.memref_slice %arg5[%arg0, %dma_wait3A_129, %dma_wait3A_130] : memref<2x10240x64xf32, #tpu.memory_space<hbm>> -> memref<1x128x64xf32, #tpu.memory_space<hbm>>
      %dma_wait3A_132 = tpu.memref_squeeze %dma_wait3A_131 : memref<1x128x64xf32, #tpu.memory_space<hbm>> -> memref<128x64xf32, #tpu.memory_space<hbm>>
      tpu.wait_dma2 semaphore(%arg16 : memref<!tpu.dma_semaphore, #tpu.memory_space<semaphore_mem>>) src(%dma_wait3A_132 : memref<128x64xf32, #tpu.memory_space<hbm>>) dst(%arg10 : memref<128x64xf32, #tpu.memory_space<vmem>>)
      %dma_wait3A_133 = arith.constant 0 : i32
      %dma_wait3A_134 = arith.constant 0 : i32
      %dma_wait3A_135 = tpu.memref_slice %arg2[%arg0, %dma_wait3A_133, %dma_wait3A_134] : memref<2x10000x64xf32, #tpu.memory_space<hbm>> -> memref<1x10000x64xf32, #tpu.memory_space<hbm>>
      %dma_wait3A_136 = tpu.memref_squeeze %dma_wait3A_135 : memref<1x10000x64xf32, #tpu.memory_space<hbm>> -> memref<10000x64xf32, #tpu.memory_space<hbm>>
      %dma_wait3A_137 = arith.constant 0 : i32
      %dma_wait3A_138 = arith.constant 0 : i32
      %dma_wait3A_139 = tpu.memref_slice %dma_wait3A_136[%dma_wait3A_137, %dma_wait3A_138] : memref<10000x64xf32, #tpu.memory_space<hbm>> -> memref<128x64xf32, #tpu.memory_space<hbm>>
      %dma_wait3A_140 = arith.constant 0 : i32
      %dma_wait3A_141 = arith.constant 0 : i32
      %dma_wait3A_142 = tpu.memref_slice %arg2[%arg0, %dma_wait3A_140, %dma_wait3A_141] : memref<2x10000x64xf32, #tpu.memory_space<hbm>> -> memref<1x10000x64xf32, #tpu.memory_space<hbm>>
      %dma_wait3A_143 = tpu.memref_squeeze %dma_wait3A_142 : memref<1x10000x64xf32, #tpu.memory_space<hbm>> -> memref<10000x64xf32, #tpu.memory_space<hbm>>
      %dma_wait3A_144 = arith.constant 0 : i32
      %dma_wait3A_145 = arith.constant 0 : i32
      %dma_wait3A_146 = tpu.memref_slice %dma_wait3A_143[%dma_wait3A_144, %dma_wait3A_145] : memref<10000x64xf32, #tpu.memory_space<hbm>> -> memref<128x64xf32, #tpu.memory_space<hbm>>
      tpu.wait_dma2 semaphore(%arg16 : memref<!tpu.dma_semaphore, #tpu.memory_space<semaphore_mem>>) src(%dma_wait3A_146 : memref<128x64xf32, #tpu.memory_space<hbm>>) dst(%arg18 : memref<128x16xf32, #tpu.memory_space<vmem>>)
      %add3A = arith.constant 0 : i32
      %add3A_147 = arith.addi %mul3A_102, %add3A : i32
      %dma_start3A_148 = arith.constant 0 : i32
      %dma_start3A_149 = tpu.memref_slice %arg7[%add3A_147, %dma_start3A_148] : memref<159x128xi32, #tpu.memory_space<vmem>> -> memref<1x128xi32, #tpu.memory_space<vmem>>
      %dma_start3A_150 = tpu.memref_squeeze %dma_start3A_149 : memref<1x128xi32, #tpu.memory_space<vmem>> -> memref<128xi32, #tpu.memory_space<vmem>>
      %dma_start3A_151 = arith.constant 0 : i32
      %dma_start3A_152 = arith.constant 0 : i32
      %dma_start3A_153 = tpu.memref_slice %arg2[%arg0, %dma_start3A_151, %dma_start3A_152] : memref<2x10000x64xf32, #tpu.memory_space<hbm>> -> memref<1x10000x64xf32, #tpu.memory_space<hbm>>
      %dma_start3A_154 = tpu.memref_squeeze %dma_start3A_153 : memref<1x10000x64xf32, #tpu.memory_space<hbm>> -> memref<10000x64xf32, #tpu.memory_space<hbm>>
      %dma_start3A_155 = arith.constant 0 : i32
      %dma_start3A_156 = arith.constant 0 : i32
      %dma_start3A_157 = tpu.memref_slice %dma_start3A_154[%dma_start3A_155, %dma_start3A_156] : memref<10000x64xf32, #tpu.memory_space<hbm>> -> memref<10000x64xf32, #tpu.memory_space<hbm>>
      tpu.enqueue_indirect_dma source(%dma_start3A_157 : memref<10000x64xf32, #tpu.memory_space<hbm>>) target(%arg9 : memref<128x64xf32, #tpu.memory_space<vmem>>) offsets(%dma_start3A_150 : memref<128xi32, #tpu.memory_space<vmem>>) semaphore(%arg13 : memref<!tpu.dma_semaphore, #tpu.memory_space<semaphore_mem>>)
      %add3A_158 = arith.constant 1 : i32
      %add3A_159 = arith.addi %mul3A_102, %add3A_158 : i32
      %dma_start3A_160 = arith.constant 0 : i32
      %dma_start3A_161 = tpu.memref_slice %arg7[%add3A_159, %dma_start3A_160] : memref<159x128xi32, #tpu.memory_space<vmem>> -> memref<1x128xi32, #tpu.memory_space<vmem>>
      %dma_start3A_162 = tpu.memref_squeeze %dma_start3A_161 : memref<1x128xi32, #tpu.memory_space<vmem>> -> memref<128xi32, #tpu.memory_space<vmem>>
      %dma_start3A_163 = arith.constant 0 : i32
      %dma_start3A_164 = arith.constant 0 : i32
      %dma_start3A_165 = tpu.memref_slice %arg2[%arg0, %dma_start3A_163, %dma_start3A_164] : memref<2x10000x64xf32, #tpu.memory_space<hbm>> -> memref<1x10000x64xf32, #tpu.memory_space<hbm>>
      %dma_start3A_166 = tpu.memref_squeeze %dma_start3A_165 : memref<1x10000x64xf32, #tpu.memory_space<hbm>> -> memref<10000x64xf32, #tpu.memory_space<hbm>>
      %dma_start3A_167 = arith.constant 0 : i32
      %dma_start3A_168 = arith.constant 0 : i32
      %dma_start3A_169 = tpu.memref_slice %dma_start3A_166[%dma_start3A_167, %dma_start3A_168] : memref<10000x64xf32, #tpu.memory_space<hbm>> -> memref<10000x64xf32, #tpu.memory_space<hbm>>
      tpu.enqueue_indirect_dma source(%dma_start3A_169 : memref<10000x64xf32, #tpu.memory_space<hbm>>) target(%arg10 : memref<128x64xf32, #tpu.memory_space<vmem>>) offsets(%dma_start3A_162 : memref<128xi32, #tpu.memory_space<vmem>>) semaphore(%arg14 : memref<!tpu.dma_semaphore, #tpu.memory_space<semaphore_mem>>)
      %dma_wait3A_170 = arith.constant 0 : i32
      %dma_wait3A_171 = tpu.memref_slice %arg7[%add3A_147, %dma_wait3A_170] : memref<159x128xi32, #tpu.memory_space<vmem>> -> memref<1x128xi32, #tpu.memory_space<vmem>>
      %dma_wait3A_172 = tpu.memref_squeeze %dma_wait3A_171 : memref<1x128xi32, #tpu.memory_space<vmem>> -> memref<128xi32, #tpu.memory_space<vmem>>
      %dma_wait3A_173 = arith.constant 0 : i32
      %dma_wait3A_174 = arith.constant 0 : i32
      %dma_wait3A_175 = tpu.memref_slice %arg2[%arg0, %dma_wait3A_173, %dma_wait3A_174] : memref<2x10000x64xf32, #tpu.memory_space<hbm>> -> memref<1x10000x64xf32, #tpu.memory_space<hbm>>
      %dma_wait3A_176 = tpu.memref_squeeze %dma_wait3A_175 : memref<1x10000x64xf32, #tpu.memory_space<hbm>> -> memref<10000x64xf32, #tpu.memory_space<hbm>>
      %dma_wait3A_177 = arith.constant 0 : i32
      %dma_wait3A_178 = arith.constant 0 : i32
      %dma_wait3A_179 = tpu.memref_slice %dma_wait3A_176[%dma_wait3A_177, %dma_wait3A_178] : memref<10000x64xf32, #tpu.memory_space<hbm>> -> memref<10000x64xf32, #tpu.memory_space<hbm>>
      tpu.wait_indirect_dma semaphore(%arg13 : memref<!tpu.dma_semaphore, #tpu.memory_space<semaphore_mem>>) src(%dma_wait3A_179 : memref<10000x64xf32, #tpu.memory_space<hbm>>) dst(%arg9 : memref<128x64xf32, #tpu.memory_space<vmem>>)
      %add3A_180 = arith.constant 0 : i32
      %add3A_181 = arith.addi %mul3A_102, %add3A_180 : i32
      %dma_start3A_182 = arith.constant 0 : i32
      %dma_start3A_183 = tpu.memref_slice %arg8[%add3A_181, %dma_start3A_182] : memref<159x128xi32, #tpu.memory_space<vmem>> -> memref<1x128xi32, #tpu.memory_space<vmem>>
      %dma_start3A_184 = tpu.memref_squeeze %dma_start3A_183 : memref<1x128xi32, #tpu.memory_space<vmem>> -> memref<128xi32, #tpu.memory_space<vmem>>
      %dma_start3A_185 = arith.constant 0 : i32
      %dma_start3A_186 = arith.constant 0 : i32
      %dma_start3A_187 = tpu.memref_slice %arg12[%dma_start3A_185, %dma_start3A_186] : memref<10240x64xf32, #tpu.memory_space<vmem_shared>> -> memref<10240x64xf32, #tpu.memory_space<vmem_shared>>
      tpu.enqueue_indirect_dma source(%arg9 : memref<128x64xf32, #tpu.memory_space<vmem>>) target(%dma_start3A_187 : memref<10240x64xf32, #tpu.memory_space<vmem_shared>>) offsets(%dma_start3A_184 : memref<128xi32, #tpu.memory_space<vmem>>) semaphore(%arg15 : memref<!tpu.dma_semaphore, #tpu.memory_space<semaphore_mem>>) {add = true}
      %add3A_188 = arith.constant 0 : i32
      %add3A_189 = arith.addi %mul3A_102, %add3A_188 : i32
      %dma_start3A_190 = arith.constant 0 : i32
      %dma_start3A_191 = tpu.memref_slice %arg8[%add3A_189, %dma_start3A_190] : memref<159x128xi32, #tpu.memory_space<vmem>> -> memref<1x128xi32, #tpu.memory_space<vmem>>
      %dma_start3A_192 = tpu.memref_squeeze %dma_start3A_191 : memref<1x128xi32, #tpu.memory_space<vmem>> -> memref<128xi32, #tpu.memory_space<vmem>>
      %dma_start3A_193 = arith.constant 0 : i32
      %dma_start3A_194 = arith.constant 0 : i32
      %dma_start3A_195 = tpu.memref_slice %arg19[%dma_start3A_193, %dma_start3A_194] : memref<10240x16xf32, #tpu.memory_space<vmem_shared>> -> memref<10240x16xf32, #tpu.memory_space<vmem_shared>>
      tpu.enqueue_indirect_dma source(%arg18 : memref<128x16xf32, #tpu.memory_space<vmem>>) target(%dma_start3A_195 : memref<10240x16xf32, #tpu.memory_space<vmem_shared>>) offsets(%dma_start3A_192 : memref<128xi32, #tpu.memory_space<vmem>>) semaphore(%arg15 : memref<!tpu.dma_semaphore, #tpu.memory_space<semaphore_mem>>) {add = true}
      %dma_wait3A_196 = arith.constant 0 : i32
      %dma_wait3A_197 = tpu.memref_slice %arg7[%add3A_159, %dma_wait3A_196] : memref<159x128xi32, #tpu.memory_space<vmem>> -> memref<1x128xi32, #tpu.memory_space<vmem>>
      %dma_wait3A_198 = tpu.memref_squeeze %dma_wait3A_197 : memref<1x128xi32, #tpu.memory_space<vmem>> -> memref<128xi32, #tpu.memory_space<vmem>>
      %dma_wait3A_199 = arith.constant 0 : i32
      %dma_wait3A_200 = arith.constant 0 : i32
      %dma_wait3A_201 = tpu.memref_slice %arg2[%arg0, %dma_wait3A_199, %dma_wait3A_200] : memref<2x10000x64xf32, #tpu.memory_space<hbm>> -> memref<1x10000x64xf32, #tpu.memory_space<hbm>>
      %dma_wait3A_202 = tpu.memref_squeeze %dma_wait3A_201 : memref<1x10000x64xf32, #tpu.memory_space<hbm>> -> memref<10000x64xf32, #tpu.memory_space<hbm>>
      %dma_wait3A_203 = arith.constant 0 : i32
      %dma_wait3A_204 = arith.constant 0 : i32
      %dma_wait3A_205 = tpu.memref_slice %dma_wait3A_202[%dma_wait3A_203, %dma_wait3A_204] : memref<10000x64xf32, #tpu.memory_space<hbm>> -> memref<10000x64xf32, #tpu.memory_space<hbm>>
      tpu.wait_indirect_dma semaphore(%arg14 : memref<!tpu.dma_semaphore, #tpu.memory_space<semaphore_mem>>) src(%dma_wait3A_205 : memref<10000x64xf32, #tpu.memory_space<hbm>>) dst(%arg10 : memref<128x64xf32, #tpu.memory_space<vmem>>)
      %add3A_206 = arith.constant 1 : i32
      %add3A_207 = arith.addi %mul3A_102, %add3A_206 : i32
      %dma_start3A_208 = arith.constant 0 : i32
      %dma_start3A_209 = tpu.memref_slice %arg8[%add3A_207, %dma_start3A_208] : memref<159x128xi32, #tpu.memory_space<vmem>> -> memref<1x128xi32, #tpu.memory_space<vmem>>
      %dma_start3A_210 = tpu.memref_squeeze %dma_start3A_209 : memref<1x128xi32, #tpu.memory_space<vmem>> -> memref<128xi32, #tpu.memory_space<vmem>>
      %dma_start3A_211 = arith.constant 0 : i32
      %dma_start3A_212 = arith.constant 0 : i32
      %dma_start3A_213 = tpu.memref_slice %arg12[%dma_start3A_211, %dma_start3A_212] : memref<10240x64xf32, #tpu.memory_space<vmem_shared>> -> memref<10240x64xf32, #tpu.memory_space<vmem_shared>>
      tpu.enqueue_indirect_dma source(%arg10 : memref<128x64xf32, #tpu.memory_space<vmem>>) target(%dma_start3A_213 : memref<10240x64xf32, #tpu.memory_space<vmem_shared>>) offsets(%dma_start3A_210 : memref<128xi32, #tpu.memory_space<vmem>>) semaphore(%arg16 : memref<!tpu.dma_semaphore, #tpu.memory_space<semaphore_mem>>) {add = true}
      %add3A_214 = arith.constant 1 : i32
      %add3A_215 = arith.addi %mul3A_102, %add3A_214 : i32
      %dma_start3A_216 = arith.constant 0 : i32
      %dma_start3A_217 = tpu.memref_slice %arg8[%add3A_215, %dma_start3A_216] : memref<159x128xi32, #tpu.memory_space<vmem>> -> memref<1x128xi32, #tpu.memory_space<vmem>>
      %dma_start3A_218 = tpu.memref_squeeze %dma_start3A_217 : memref<1x128xi32, #tpu.memory_space<vmem>> -> memref<128xi32, #tpu.memory_space<vmem>>
      %dma_start3A_219 = arith.constant 0 : i32
      %dma_start3A_220 = arith.constant 0 : i32
      %dma_start3A_221 = tpu.memref_slice %arg19[%dma_start3A_219, %dma_start3A_220] : memref<10240x16xf32, #tpu.memory_space<vmem_shared>> -> memref<10240x16xf32, #tpu.memory_space<vmem_shared>>
      tpu.enqueue_indirect_dma source(%arg18 : memref<128x16xf32, #tpu.memory_space<vmem>>) target(%dma_start3A_221 : memref<10240x16xf32, #tpu.memory_space<vmem_shared>>) offsets(%dma_start3A_218 : memref<128xi32, #tpu.memory_space<vmem>>) semaphore(%arg16 : memref<!tpu.dma_semaphore, #tpu.memory_space<semaphore_mem>>) {add = true}
    }
    %scan3A_47 = arith.constant 79 : i32
    %dma_wait3A = arith.constant 0 : i32
    %dma_wait3A_48 = arith.constant 0 : i32
    %dma_wait3A_49 = tpu.memref_slice %arg5[%arg0, %dma_wait3A, %dma_wait3A_48] : memref<2x10240x64xf32, #tpu.memory_space<hbm>> -> memref<1x128x64xf32, #tpu.memory_space<hbm>>
    %dma_wait3A_50 = tpu.memref_squeeze %dma_wait3A_49 : memref<1x128x64xf32, #tpu.memory_space<hbm>> -> memref<128x64xf32, #tpu.memory_space<hbm>>
    %dma_wait3A_51 = arith.constant 0 : i32
    %dma_wait3A_52 = arith.constant 0 : i32
    %dma_wait3A_53 = tpu.memref_slice %arg5[%arg0, %dma_wait3A_51, %dma_wait3A_52] : memref<2x10240x64xf32, #tpu.memory_space<hbm>> -> memref<1x128x64xf32, #tpu.memory_space<hbm>>
    %dma_wait3A_54 = tpu.memref_squeeze %dma_wait3A_53 : memref<1x128x64xf32, #tpu.memory_space<hbm>> -> memref<128x64xf32, #tpu.memory_space<hbm>>
    tpu.wait_dma2 semaphore(%arg15 : memref<!tpu.dma_semaphore, #tpu.memory_space<semaphore_mem>>) src(%dma_wait3A_54 : memref<128x64xf32, #tpu.memory_space<hbm>>) dst(%arg9 : memref<128x64xf32, #tpu.memory_space<vmem>>)
    %dma_wait3A_55 = arith.constant 0 : i32
    %dma_wait3A_56 = arith.constant 0 : i32
    %dma_wait3A_57 = tpu.memref_slice %arg2[%arg0, %dma_wait3A_55, %dma_wait3A_56] : memref<2x10000x64xf32, #tpu.memory_space<hbm>> -> memref<1x10000x64xf32, #tpu.memory_space<hbm>>
    %dma_wait3A_58 = tpu.memref_squeeze %dma_wait3A_57 : memref<1x10000x64xf32, #tpu.memory_space<hbm>> -> memref<10000x64xf32, #tpu.memory_space<hbm>>
    %dma_wait3A_59 = arith.constant 0 : i32
    %dma_wait3A_60 = arith.constant 0 : i32
    %dma_wait3A_61 = tpu.memref_slice %dma_wait3A_58[%dma_wait3A_59, %dma_wait3A_60] : memref<10000x64xf32, #tpu.memory_space<hbm>> -> memref<128x64xf32, #tpu.memory_space<hbm>>
    %dma_wait3A_62 = arith.constant 0 : i32
    %dma_wait3A_63 = arith.constant 0 : i32
    %dma_wait3A_64 = tpu.memref_slice %arg2[%arg0, %dma_wait3A_62, %dma_wait3A_63] : memref<2x10000x64xf32, #tpu.memory_space<hbm>> -> memref<1x10000x64xf32, #tpu.memory_space<hbm>>
    %dma_wait3A_65 = tpu.memref_squeeze %dma_wait3A_64 : memref<1x10000x64xf32, #tpu.memory_space<hbm>> -> memref<10000x64xf32, #tpu.memory_space<hbm>>
    %dma_wait3A_66 = arith.constant 0 : i32
    %dma_wait3A_67 = arith.constant 0 : i32
    %dma_wait3A_68 = tpu.memref_slice %dma_wait3A_65[%dma_wait3A_66, %dma_wait3A_67] : memref<10000x64xf32, #tpu.memory_space<hbm>> -> memref<128x64xf32, #tpu.memory_space<hbm>>
    tpu.wait_dma2 semaphore(%arg15 : memref<!tpu.dma_semaphore, #tpu.memory_space<semaphore_mem>>) src(%dma_wait3A_68 : memref<128x64xf32, #tpu.memory_space<hbm>>) dst(%arg18 : memref<128x16xf32, #tpu.memory_space<vmem>>)
    %dma_wait3A_69 = arith.constant 0 : i32
    %dma_wait3A_70 = arith.constant 0 : i32
    %dma_wait3A_71 = tpu.memref_slice %arg5[%arg0, %dma_wait3A_69, %dma_wait3A_70] : memref<2x10240x64xf32, #tpu.memory_space<hbm>> -> memref<1x128x64xf32, #tpu.memory_space<hbm>>
    %dma_wait3A_72 = tpu.memref_squeeze %dma_wait3A_71 : memref<1x128x64xf32, #tpu.memory_space<hbm>> -> memref<128x64xf32, #tpu.memory_space<hbm>>
    %dma_wait3A_73 = arith.constant 0 : i32
    %dma_wait3A_74 = arith.constant 0 : i32
    %dma_wait3A_75 = tpu.memref_slice %arg5[%arg0, %dma_wait3A_73, %dma_wait3A_74] : memref<2x10240x64xf32, #tpu.memory_space<hbm>> -> memref<1x128x64xf32, #tpu.memory_space<hbm>>
    %dma_wait3A_76 = tpu.memref_squeeze %dma_wait3A_75 : memref<1x128x64xf32, #tpu.memory_space<hbm>> -> memref<128x64xf32, #tpu.memory_space<hbm>>
    tpu.wait_dma2 semaphore(%arg16 : memref<!tpu.dma_semaphore, #tpu.memory_space<semaphore_mem>>) src(%dma_wait3A_76 : memref<128x64xf32, #tpu.memory_space<hbm>>) dst(%arg10 : memref<128x64xf32, #tpu.memory_space<vmem>>)
    %dma_wait3A_77 = arith.constant 0 : i32
    %dma_wait3A_78 = arith.constant 0 : i32
    %dma_wait3A_79 = tpu.memref_slice %arg2[%arg0, %dma_wait3A_77, %dma_wait3A_78] : memref<2x10000x64xf32, #tpu.memory_space<hbm>> -> memref<1x10000x64xf32, #tpu.memory_space<hbm>>
    %dma_wait3A_80 = tpu.memref_squeeze %dma_wait3A_79 : memref<1x10000x64xf32, #tpu.memory_space<hbm>> -> memref<10000x64xf32, #tpu.memory_space<hbm>>
    %dma_wait3A_81 = arith.constant 0 : i32
    %dma_wait3A_82 = arith.constant 0 : i32
    %dma_wait3A_83 = tpu.memref_slice %dma_wait3A_80[%dma_wait3A_81, %dma_wait3A_82] : memref<10000x64xf32, #tpu.memory_space<hbm>> -> memref<128x64xf32, #tpu.memory_space<hbm>>
    %dma_wait3A_84 = arith.constant 0 : i32
    %dma_wait3A_85 = arith.constant 0 : i32
    %dma_wait3A_86 = tpu.memref_slice %arg2[%arg0, %dma_wait3A_84, %dma_wait3A_85] : memref<2x10000x64xf32, #tpu.memory_space<hbm>> -> memref<1x10000x64xf32, #tpu.memory_space<hbm>>
    %dma_wait3A_87 = tpu.memref_squeeze %dma_wait3A_86 : memref<1x10000x64xf32, #tpu.memory_space<hbm>> -> memref<10000x64xf32, #tpu.memory_space<hbm>>
    %dma_wait3A_88 = arith.constant 0 : i32
    %dma_wait3A_89 = arith.constant 0 : i32
    %dma_wait3A_90 = tpu.memref_slice %dma_wait3A_87[%dma_wait3A_88, %dma_wait3A_89] : memref<10000x64xf32, #tpu.memory_space<hbm>> -> memref<128x64xf32, #tpu.memory_space<hbm>>
    tpu.wait_dma2 semaphore(%arg16 : memref<!tpu.dma_semaphore, #tpu.memory_space<semaphore_mem>>) src(%dma_wait3A_90 : memref<128x64xf32, #tpu.memory_space<hbm>>) dst(%arg18 : memref<128x16xf32, #tpu.memory_space<vmem>>)
    %barrier3A_91 = arith.constant 0 : index
    tpu.barrier barrier_id(%barrier3A_91)
    %scan3A_92 = arith.constant 0 : i32
    %scan3A_93 = arith.constant 0 : i32
    %scan3A_94 = arith.constant 5 : i32
    %scan3A_95 = arith.addi %scan3A_93, %scan3A_94 : i32
    %scan3A_96 = arith.constant 1 : i32
    scf.for %scan3A_100 = %scan3A_93 to %scan3A_95 step %scan3A_96  : i32 {
      %mul3A_101 = arith.constant 128 : i32
      %mul3A_102 = arith.muli %scan3A_100, %mul3A_101 : i32
      %add3A = arith.addi %mul3A_8, %mul3A_102 : i32
      "tpu.region"() ({
        %run_scoped3A = tpu.sem_alloc : memref<!tpu.dma_semaphore, #tpu.memory_space<semaphore_mem>>
        %dma_start3A_103 = arith.constant 0 : i32
        %dma_start3A_104 = tpu.memref_slice %arg5[%arg0, %add3A, %dma_start3A_103] : memref<2x10240x64xf32, #tpu.memory_space<hbm>> -> memref<1x128x64xf32, #tpu.memory_space<hbm>>
        %dma_start3A_105 = tpu.memref_squeeze %dma_start3A_104 : memref<1x128x64xf32, #tpu.memory_space<hbm>> -> memref<128x64xf32, #tpu.memory_space<hbm>>
        %dma_start3A_106 = arith.constant 0 : i32
        %dma_start3A_107 = tpu.memref_slice %arg12[%add3A, %dma_start3A_106] : memref<10240x64xf32, #tpu.memory_space<vmem_shared>> -> memref<128x64xf32, #tpu.memory_space<vmem_shared>>
        tpu.enqueue_dma source(%dma_start3A_107 : memref<128x64xf32, #tpu.memory_space<vmem_shared>>) target(%dma_start3A_105 : memref<128x64xf32, #tpu.memory_space<hbm>>) target_semaphore(%run_scoped3A : memref<!tpu.dma_semaphore, #tpu.memory_space<semaphore_mem>>)
        %dma_wait3A_108 = arith.constant 0 : i32
        %dma_wait3A_109 = tpu.memref_slice %arg5[%arg0, %add3A, %dma_wait3A_108] : memref<2x10240x64xf32, #tpu.memory_space<hbm>> -> memref<1x128x64xf32, #tpu.memory_space<hbm>>
        %dma_wait3A_110 = tpu.memref_squeeze %dma_wait3A_109 : memref<1x128x64xf32, #tpu.memory_space<hbm>> -> memref<128x64xf32, #tpu.memory_space<hbm>>
        %dma_wait3A_111 = arith.constant 0 : i32
        %dma_wait3A_112 = tpu.memref_slice %arg12[%add3A, %dma_wait3A_111] : memref<10240x64xf32, #tpu.memory_space<vmem_shared>> -> memref<128x64xf32, #tpu.memory_space<vmem_shared>>
        tpu.wait_dma2 semaphore(%run_scoped3A : memref<!tpu.dma_semaphore, #tpu.memory_space<semaphore_mem>>) src(%dma_wait3A_112 : memref<128x64xf32, #tpu.memory_space<vmem_shared>>) dst(%dma_wait3A_110 : memref<128x64xf32, #tpu.memory_space<hbm>>)
        tpu.yield
      }) : () -> ()
    }
    %scan3A_97 = arith.constant 5 : i32
    %eq3A = arith.constant 0 : i32
    %eq3A_98 = arith.cmpi eq, %arg0, %eq3A : i32
    %convert_element_type3A = arith.extui %eq3A_98 : i1 to i32
    %cond3A = arith.constant 0 : i32
    %cond3A_99 = arith.cmpi ne, %convert_element_type3A, %cond3A : i32
    scf.if %cond3A_99 {
      "tpu.region"() ({
        %run_scoped3A = tpu.sem_alloc : memref<!tpu.dma_semaphore, #tpu.memory_space<semaphore_mem>>
        %dma_start3A_100 = arith.constant 0 : i32
        %dma_start3A_101 = tpu.memref_slice %arg6[%mul3A_8, %dma_start3A_100] : memref<10240x16xf32, #tpu.memory_space<hbm>> -> memref<640x16xf32, #tpu.memory_space<hbm>>
        %dma_start3A_102 = arith.constant 0 : i32
        %dma_start3A_103 = tpu.memref_slice %arg19[%mul3A_8, %dma_start3A_102] : memref<10240x16xf32, #tpu.memory_space<vmem_shared>> -> memref<640x16xf32, #tpu.memory_space<vmem_shared>>
        tpu.enqueue_dma source(%dma_start3A_103 : memref<640x16xf32, #tpu.memory_space<vmem_shared>>) target(%dma_start3A_101 : memref<640x16xf32, #tpu.memory_space<hbm>>) target_semaphore(%run_scoped3A : memref<!tpu.dma_semaphore, #tpu.memory_space<semaphore_mem>>)
        %dma_wait3A_104 = arith.constant 0 : i32
        %dma_wait3A_105 = tpu.memref_slice %arg6[%mul3A_8, %dma_wait3A_104] : memref<10240x16xf32, #tpu.memory_space<hbm>> -> memref<640x16xf32, #tpu.memory_space<hbm>>
        %dma_wait3A_106 = arith.constant 0 : i32
        %dma_wait3A_107 = tpu.memref_slice %arg19[%mul3A_8, %dma_wait3A_106] : memref<10240x16xf32, #tpu.memory_space<vmem_shared>> -> memref<640x16xf32, #tpu.memory_space<vmem_shared>>
        tpu.wait_dma2 semaphore(%run_scoped3A : memref<!tpu.dma_semaphore, #tpu.memory_space<semaphore_mem>>) src(%dma_wait3A_107 : memref<640x16xf32, #tpu.memory_space<vmem_shared>>) dst(%dma_wait3A_105 : memref<640x16xf32, #tpu.memory_space<hbm>>)
        tpu.yield
      }) : () -> ()
    } else {
    }
    return
  }
}

#map = affine_map<(d0, d1) -> (0, 0, 0)>
module attributes {stable_mosaic.version = 14 : i64} {
  func.func @body(%arg0: i32, %arg1: i32, %arg2: memref<2x10000x64xf32, #tpu.memory_space<hbm>>, %arg3: memref<16x159x128xi32, #tpu.memory_space<hbm>>, %arg4: memref<16x159x128xi32, #tpu.memory_space<hbm>>, %arg5: memref<2x10240x64xf32, #tpu.memory_space<hbm>>, %arg6: memref<159x128xi32, #tpu.memory_space<vmem>>, %arg7: memref<159x128xi32, #tpu.memory_space<vmem>>, %arg8: memref<128x64xf32, #tpu.memory_space<vmem>>, %arg9: memref<128x64xf32, #tpu.memory_space<vmem>>, %arg10: memref<128x64xf32, #tpu.memory_space<vmem>>, %arg11: memref<10240x64xf32, #tpu.memory_space<vmem_shared>>, %arg12: memref<!tpu.dma_semaphore, #tpu.memory_space<semaphore_mem>>, %arg13: memref<!tpu.dma_semaphore, #tpu.memory_space<semaphore_mem>>, %arg14: memref<!tpu.dma_semaphore, #tpu.memory_space<semaphore_mem>>, %arg15: memref<!tpu.dma_semaphore, #tpu.memory_space<semaphore_mem>>) attributes {dimension_semantics = [#tpu.dimension_semantics<core_parallel>, #tpu.dimension_semantics<subcore_parallel>], iteration_bounds = array<i64: 2, 16>, scalar_prefetch = 0 : i64, scratch_operands = 10 : i64, tpu.core_type = #tpu.core_type<sc_vector_subcore>, window_params = [{transform_indices = #map}, {transform_indices = #map}, {transform_indices = #map}, {transform_indices = #map}]} {
    %broadcast_in_dim3A = arith.constant 0.000000e+00 : f32
    %broadcast_in_dim3A_0 = vector.broadcast %broadcast_in_dim3A : f32 to vector<16xf32>
    %broadcast_in_dim3A_1 = arith.constant 1.000000e+00 : f32
    %broadcast_in_dim3A_2 = vector.broadcast %broadcast_in_dim3A_1 : f32 to vector<16xf32>
    %scan3A = arith.constant 0 : i32
    %scan3A_3 = arith.constant 0 : i32
    %scan3A_4 = arith.constant 128 : i32
    %scan3A_5 = arith.addi %scan3A_3, %scan3A_4 : i32
    %scan3A_6 = arith.constant 1 : i32
    scf.for %scan3A_56 = %scan3A_3 to %scan3A_5 step %scan3A_6  : i32 {
      %swap3A = arith.index_cast %scan3A_56 : i32 to index
      %swap3A_57 = arith.constant 0 : index
      %swap3A_58 = tpu.vector_load %arg10[%swap3A, %swap3A_57] {strides = array<i32>} : memref<128x64xf32, #tpu.memory_space<vmem>>, vector<1x16xf32>,
      %swap3A_59 = vector.shape_cast %swap3A_58 : vector<1x16xf32> to vector<16xf32>
      %swap3A_60 = vector.shape_cast %broadcast_in_dim3A_0 : vector<16xf32> to vector<1x16xf32>
      tpu.vector_store %arg10[%swap3A, %swap3A_57], %swap3A_60 {strides = array<i32>} : memref<128x64xf32, #tpu.memory_space<vmem>>, vector<1x16xf32>,
      %swap3A_61 = arith.index_cast %scan3A_56 : i32 to index
      %swap3A_62 = arith.constant 16 : index
      %swap3A_63 = tpu.vector_load %arg10[%swap3A_61, %swap3A_62] {strides = array<i32>} : memref<128x64xf32, #tpu.memory_space<vmem>>, vector<1x16xf32>,
      %swap3A_64 = vector.shape_cast %swap3A_63 : vector<1x16xf32> to vector<16xf32>
      %swap3A_65 = vector.shape_cast %broadcast_in_dim3A_0 : vector<16xf32> to vector<1x16xf32>
      tpu.vector_store %arg10[%swap3A_61, %swap3A_62], %swap3A_65 {strides = array<i32>} : memref<128x64xf32, #tpu.memory_space<vmem>>, vector<1x16xf32>,
      %swap3A_66 = arith.index_cast %scan3A_56 : i32 to index
      %swap3A_67 = arith.constant 32 : index
      %swap3A_68 = tpu.vector_load %arg10[%swap3A_66, %swap3A_67] {strides = array<i32>} : memref<128x64xf32, #tpu.memory_space<vmem>>, vector<1x16xf32>,
      %swap3A_69 = vector.shape_cast %swap3A_68 : vector<1x16xf32> to vector<16xf32>
      %swap3A_70 = vector.shape_cast %broadcast_in_dim3A_0 : vector<16xf32> to vector<1x16xf32>
      tpu.vector_store %arg10[%swap3A_66, %swap3A_67], %swap3A_70 {strides = array<i32>} : memref<128x64xf32, #tpu.memory_space<vmem>>, vector<1x16xf32>,
      %swap3A_71 = arith.index_cast %scan3A_56 : i32 to index
      %swap3A_72 = arith.constant 48 : index
      %swap3A_73 = tpu.vector_load %arg10[%swap3A_71, %swap3A_72] {strides = array<i32>} : memref<128x64xf32, #tpu.memory_space<vmem>>, vector<1x16xf32>,
      %swap3A_74 = vector.shape_cast %swap3A_73 : vector<1x16xf32> to vector<16xf32>
      %swap3A_75 = vector.shape_cast %broadcast_in_dim3A_0 : vector<16xf32> to vector<1x16xf32>
      tpu.vector_store %arg10[%swap3A_71, %swap3A_72], %swap3A_75 {strides = array<i32>} : memref<128x64xf32, #tpu.memory_space<vmem>>, vector<1x16xf32>,
    }
    %scan3A_7 = arith.constant 128 : i32
    "tpu.region"() ({
      %run_scoped3A = tpu.sem_alloc : memref<!tpu.dma_semaphore, #tpu.memory_space<semaphore_mem>>
      %dma_start3A_56 = arith.constant 0 : i32
      %dma_start3A_57 = arith.constant 0 : i32
      %dma_start3A_58 = tpu.memref_slice %arg3[%arg1, %dma_start3A_56, %dma_start3A_57] : memref<16x159x128xi32, #tpu.memory_space<hbm>> -> memref<1x159x128xi32, #tpu.memory_space<hbm>>
      %dma_start3A_59 = tpu.memref_squeeze %dma_start3A_58 : memref<1x159x128xi32, #tpu.memory_space<hbm>> -> memref<159x128xi32, #tpu.memory_space<hbm>>
      %dma_start3A_60 = arith.constant 0 : i32
      %dma_start3A_61 = arith.constant 0 : i32
      %dma_start3A_62 = tpu.memref_slice %arg3[%arg1, %dma_start3A_60, %dma_start3A_61] : memref<16x159x128xi32, #tpu.memory_space<hbm>> -> memref<1x159x128xi32, #tpu.memory_space<hbm>>
      %dma_start3A_63 = tpu.memref_squeeze %dma_start3A_62 : memref<1x159x128xi32, #tpu.memory_space<hbm>> -> memref<159x128xi32, #tpu.memory_space<hbm>>
      tpu.enqueue_dma source(%dma_start3A_63 : memref<159x128xi32, #tpu.memory_space<hbm>>) target(%arg6 : memref<159x128xi32, #tpu.memory_space<vmem>>) target_semaphore(%run_scoped3A : memref<!tpu.dma_semaphore, #tpu.memory_space<semaphore_mem>>)
      %dma_wait3A_64 = arith.constant 0 : i32
      %dma_wait3A_65 = arith.constant 0 : i32
      %dma_wait3A_66 = tpu.memref_slice %arg3[%arg1, %dma_wait3A_64, %dma_wait3A_65] : memref<16x159x128xi32, #tpu.memory_space<hbm>> -> memref<1x159x128xi32, #tpu.memory_space<hbm>>
      %dma_wait3A_67 = tpu.memref_squeeze %dma_wait3A_66 : memref<1x159x128xi32, #tpu.memory_space<hbm>> -> memref<159x128xi32, #tpu.memory_space<hbm>>
      %dma_wait3A_68 = arith.constant 0 : i32
      %dma_wait3A_69 = arith.constant 0 : i32
      %dma_wait3A_70 = tpu.memref_slice %arg3[%arg1, %dma_wait3A_68, %dma_wait3A_69] : memref<16x159x128xi32, #tpu.memory_space<hbm>> -> memref<1x159x128xi32, #tpu.memory_space<hbm>>
      %dma_wait3A_71 = tpu.memref_squeeze %dma_wait3A_70 : memref<1x159x128xi32, #tpu.memory_space<hbm>> -> memref<159x128xi32, #tpu.memory_space<hbm>>
      tpu.wait_dma2 semaphore(%run_scoped3A : memref<!tpu.dma_semaphore, #tpu.memory_space<semaphore_mem>>) src(%dma_wait3A_71 : memref<159x128xi32, #tpu.memory_space<hbm>>) dst(%arg6 : memref<159x128xi32, #tpu.memory_space<vmem>>)
      tpu.yield
    }) : () -> ()
    "tpu.region"() ({
      %run_scoped3A = tpu.sem_alloc : memref<!tpu.dma_semaphore, #tpu.memory_space<semaphore_mem>>
      %dma_start3A_56 = arith.constant 0 : i32
      %dma_start3A_57 = arith.constant 0 : i32
      %dma_start3A_58 = tpu.memref_slice %arg4[%arg1, %dma_start3A_56, %dma_start3A_57] : memref<16x159x128xi32, #tpu.memory_space<hbm>> -> memref<1x159x128xi32, #tpu.memory_space<hbm>>
      %dma_start3A_59 = tpu.memref_squeeze %dma_start3A_58 : memref<1x159x128xi32, #tpu.memory_space<hbm>> -> memref<159x128xi32, #tpu.memory_space<hbm>>
      %dma_start3A_60 = arith.constant 0 : i32
      %dma_start3A_61 = arith.constant 0 : i32
      %dma_start3A_62 = tpu.memref_slice %arg4[%arg1, %dma_start3A_60, %dma_start3A_61] : memref<16x159x128xi32, #tpu.memory_space<hbm>> -> memref<1x159x128xi32, #tpu.memory_space<hbm>>
      %dma_start3A_63 = tpu.memref_squeeze %dma_start3A_62 : memref<1x159x128xi32, #tpu.memory_space<hbm>> -> memref<159x128xi32, #tpu.memory_space<hbm>>
      tpu.enqueue_dma source(%dma_start3A_63 : memref<159x128xi32, #tpu.memory_space<hbm>>) target(%arg7 : memref<159x128xi32, #tpu.memory_space<vmem>>) target_semaphore(%run_scoped3A : memref<!tpu.dma_semaphore, #tpu.memory_space<semaphore_mem>>)
      %dma_wait3A_64 = arith.constant 0 : i32
      %dma_wait3A_65 = arith.constant 0 : i32
      %dma_wait3A_66 = tpu.memref_slice %arg4[%arg1, %dma_wait3A_64, %dma_wait3A_65] : memref<16x159x128xi32, #tpu.memory_space<hbm>> -> memref<1x159x128xi32, #tpu.memory_space<hbm>>
      %dma_wait3A_67 = tpu.memref_squeeze %dma_wait3A_66 : memref<1x159x128xi32, #tpu.memory_space<hbm>> -> memref<159x128xi32, #tpu.memory_space<hbm>>
      %dma_wait3A_68 = arith.constant 0 : i32
      %dma_wait3A_69 = arith.constant 0 : i32
      %dma_wait3A_70 = tpu.memref_slice %arg4[%arg1, %dma_wait3A_68, %dma_wait3A_69] : memref<16x159x128xi32, #tpu.memory_space<hbm>> -> memref<1x159x128xi32, #tpu.memory_space<hbm>>
      %dma_wait3A_71 = tpu.memref_squeeze %dma_wait3A_70 : memref<1x159x128xi32, #tpu.memory_space<hbm>> -> memref<159x128xi32, #tpu.memory_space<hbm>>
      tpu.wait_dma2 semaphore(%run_scoped3A : memref<!tpu.dma_semaphore, #tpu.memory_space<semaphore_mem>>) src(%dma_wait3A_71 : memref<159x128xi32, #tpu.memory_space<hbm>>) dst(%arg7 : memref<159x128xi32, #tpu.memory_space<vmem>>)
      tpu.yield
    }) : () -> ()
    %mul3A = arith.constant 640 : i32
    %mul3A_8 = arith.muli %arg1, %mul3A : i32
    %scan3A_9 = arith.constant 0 : i32
    %scan3A_10 = arith.constant 0 : i32
    %scan3A_11 = arith.constant 5 : i32
    %scan3A_12 = arith.addi %scan3A_10, %scan3A_11 : i32
    %scan3A_13 = arith.constant 1 : i32
    scf.for %scan3A_56 = %scan3A_10 to %scan3A_12 step %scan3A_13  : i32 {
      %mul3A_57 = arith.constant 128 : i32
      %mul3A_58 = arith.muli %scan3A_56, %mul3A_57 : i32
      %add3A = arith.addi %mul3A_8, %mul3A_58 : i32
      "tpu.region"() ({
        %run_scoped3A = tpu.sem_alloc : memref<!tpu.dma_semaphore, #tpu.memory_space<semaphore_mem>>
        %dma_start3A_59 = arith.constant 0 : i32
        %dma_start3A_60 = tpu.memref_slice %arg11[%add3A, %dma_start3A_59] : memref<10240x64xf32, #tpu.memory_space<vmem_shared>> -> memref<128x64xf32, #tpu.memory_space<vmem_shared>>
        %dma_start3A_61 = arith.constant 0 : i32
        %dma_start3A_62 = tpu.memref_slice %arg11[%add3A, %dma_start3A_61] : memref<10240x64xf32, #tpu.memory_space<vmem_shared>> -> memref<128x64xf32, #tpu.memory_space<vmem_shared>>
        tpu.enqueue_dma source(%arg10 : memref<128x64xf32, #tpu.memory_space<vmem>>) target(%dma_start3A_62 : memref<128x64xf32, #tpu.memory_space<vmem_shared>>) target_semaphore(%run_scoped3A : memref<!tpu.dma_semaphore, #tpu.memory_space<semaphore_mem>>)
        %dma_wait3A_63 = arith.constant 0 : i32
        %dma_wait3A_64 = tpu.memref_slice %arg11[%add3A, %dma_wait3A_63] : memref<10240x64xf32, #tpu.memory_space<vmem_shared>> -> memref<128x64xf32, #tpu.memory_space<vmem_shared>>
        %dma_wait3A_65 = arith.constant 0 : i32
        %dma_wait3A_66 = tpu.memref_slice %arg11[%add3A, %dma_wait3A_65] : memref<10240x64xf32, #tpu.memory_space<vmem_shared>> -> memref<128x64xf32, #tpu.memory_space<vmem_shared>>
        tpu.wait_dma2 semaphore(%run_scoped3A : memref<!tpu.dma_semaphore, #tpu.memory_space<semaphore_mem>>) src(%arg10 : memref<128x64xf32, #tpu.memory_space<vmem>>) dst(%dma_wait3A_66 : memref<128x64xf32, #tpu.memory_space<vmem_shared>>)
        tpu.yield
      }) : () -> ()
    }
    %scan3A_14 = arith.constant 5 : i32
    %barrier3A = arith.constant 0 : index
    tpu.barrier barrier_id(%barrier3A)
    %dma_start3A = arith.constant 0 : i32
    %dma_start3A_15 = arith.constant 0 : i32
    %dma_start3A_16 = tpu.memref_slice %arg7[%dma_start3A, %dma_start3A_15] : memref<159x128xi32, #tpu.memory_space<vmem>> -> memref<1x128xi32, #tpu.memory_space<vmem>>
    %dma_start3A_17 = tpu.memref_squeeze %dma_start3A_16 : memref<1x128xi32, #tpu.memory_space<vmem>> -> memref<128xi32, #tpu.memory_space<vmem>>
    %dma_start3A_18 = arith.constant 0 : i32
    %dma_start3A_19 = arith.constant 0 : i32
    %dma_start3A_20 = tpu.memref_slice %arg11[%dma_start3A_18, %dma_start3A_19] : memref<10240x64xf32, #tpu.memory_space<vmem_shared>> -> memref<10240x64xf32, #tpu.memory_space<vmem_shared>>
    tpu.enqueue_indirect_dma source(%arg10 : memref<128x64xf32, #tpu.memory_space<vmem>>) target(%dma_start3A_20 : memref<10240x64xf32, #tpu.memory_space<vmem_shared>>) offsets(%dma_start3A_17 : memref<128xi32, #tpu.memory_space<vmem>>) semaphore(%arg14 : memref<!tpu.dma_semaphore, #tpu.memory_space<semaphore_mem>>) {add = true}
    %dma_start3A_21 = arith.constant 1 : i32
    %dma_start3A_22 = arith.constant 0 : i32
    %dma_start3A_23 = tpu.memref_slice %arg7[%dma_start3A_21, %dma_start3A_22] : memref<159x128xi32, #tpu.memory_space<vmem>> -> memref<1x128xi32, #tpu.memory_space<vmem>>
    %dma_start3A_24 = tpu.memref_squeeze %dma_start3A_23 : memref<1x128xi32, #tpu.memory_space<vmem>> -> memref<128xi32, #tpu.memory_space<vmem>>
    %dma_start3A_25 = arith.constant 0 : i32
    %dma_start3A_26 = arith.constant 0 : i32
    %dma_start3A_27 = tpu.memref_slice %arg11[%dma_start3A_25, %dma_start3A_26] : memref<10240x64xf32, #tpu.memory_space<vmem_shared>> -> memref<10240x64xf32, #tpu.memory_space<vmem_shared>>
    tpu.enqueue_indirect_dma source(%arg10 : memref<128x64xf32, #tpu.memory_space<vmem>>) target(%dma_start3A_27 : memref<10240x64xf32, #tpu.memory_space<vmem_shared>>) offsets(%dma_start3A_24 : memref<128xi32, #tpu.memory_space<vmem>>) semaphore(%arg15 : memref<!tpu.dma_semaphore, #tpu.memory_space<semaphore_mem>>) {add = true}
    %scan3A_28 = arith.constant 0 : i32
    %scan3A_29 = arith.constant 0 : i32
    %scan3A_30 = arith.constant 79 : i32
    %scan3A_31 = arith.addi %scan3A_29, %scan3A_30 : i32
    %scan3A_32 = arith.constant 1 : i32
    scf.for %scan3A_56 = %scan3A_29 to %scan3A_31 step %scan3A_32  : i32 {
      %mul3A_57 = arith.constant 2 : i32
      %mul3A_58 = arith.muli %scan3A_56, %mul3A_57 : i32
      %dma_wait3A_59 = arith.constant 0 : i32
      %dma_wait3A_60 = arith.constant 0 : i32
      %dma_wait3A_61 = tpu.memref_slice %arg5[%arg0, %dma_wait3A_59, %dma_wait3A_60] : memref<2x10240x64xf32, #tpu.memory_space<hbm>> -> memref<1x128x64xf32, #tpu.memory_space<hbm>>
      %dma_wait3A_62 = tpu.memref_squeeze %dma_wait3A_61 : memref<1x128x64xf32, #tpu.memory_space<hbm>> -> memref<128x64xf32, #tpu.memory_space<hbm>>
      %dma_wait3A_63 = arith.constant 0 : i32
      %dma_wait3A_64 = arith.constant 0 : i32
      %dma_wait3A_65 = tpu.memref_slice %arg5[%arg0, %dma_wait3A_63, %dma_wait3A_64] : memref<2x10240x64xf32, #tpu.memory_space<hbm>> -> memref<1x128x64xf32, #tpu.memory_space<hbm>>
      %dma_wait3A_66 = tpu.memref_squeeze %dma_wait3A_65 : memref<1x128x64xf32, #tpu.memory_space<hbm>> -> memref<128x64xf32, #tpu.memory_space<hbm>>
      tpu.wait_dma2 semaphore(%arg14 : memref<!tpu.dma_semaphore, #tpu.memory_space<semaphore_mem>>) src(%dma_wait3A_66 : memref<128x64xf32, #tpu.memory_space<hbm>>) dst(%arg8 : memref<128x64xf32, #tpu.memory_space<vmem>>)
      %dma_wait3A_67 = arith.constant 0 : i32
      %dma_wait3A_68 = arith.constant 0 : i32
      %dma_wait3A_69 = tpu.memref_slice %arg5[%arg0, %dma_wait3A_67, %dma_wait3A_68] : memref<2x10240x64xf32, #tpu.memory_space<hbm>> -> memref<1x128x64xf32, #tpu.memory_space<hbm>>
      %dma_wait3A_70 = tpu.memref_squeeze %dma_wait3A_69 : memref<1x128x64xf32, #tpu.memory_space<hbm>> -> memref<128x64xf32, #tpu.memory_space<hbm>>
      %dma_wait3A_71 = arith.constant 0 : i32
      %dma_wait3A_72 = arith.constant 0 : i32
      %dma_wait3A_73 = tpu.memref_slice %arg5[%arg0, %dma_wait3A_71, %dma_wait3A_72] : memref<2x10240x64xf32, #tpu.memory_space<hbm>> -> memref<1x128x64xf32, #tpu.memory_space<hbm>>
      %dma_wait3A_74 = tpu.memref_squeeze %dma_wait3A_73 : memref<1x128x64xf32, #tpu.memory_space<hbm>> -> memref<128x64xf32, #tpu.memory_space<hbm>>
      tpu.wait_dma2 semaphore(%arg15 : memref<!tpu.dma_semaphore, #tpu.memory_space<semaphore_mem>>) src(%dma_wait3A_74 : memref<128x64xf32, #tpu.memory_space<hbm>>) dst(%arg9 : memref<128x64xf32, #tpu.memory_space<vmem>>)
      %add3A = arith.constant 0 : i32
      %add3A_75 = arith.addi %mul3A_58, %add3A : i32
      %dma_start3A_76 = arith.constant 0 : i32
      %dma_start3A_77 = tpu.memref_slice %arg6[%add3A_75, %dma_start3A_76] : memref<159x128xi32, #tpu.memory_space<vmem>> -> memref<1x128xi32, #tpu.memory_space<vmem>>
      %dma_start3A_78 = tpu.memref_squeeze %dma_start3A_77 : memref<1x128xi32, #tpu.memory_space<vmem>> -> memref<128xi32, #tpu.memory_space<vmem>>
      %dma_start3A_79 = arith.constant 0 : i32
      %dma_start3A_80 = arith.constant 0 : i32
      %dma_start3A_81 = tpu.memref_slice %arg2[%arg0, %dma_start3A_79, %dma_start3A_80] : memref<2x10000x64xf32, #tpu.memory_space<hbm>> -> memref<1x10000x64xf32, #tpu.memory_space<hbm>>
      %dma_start3A_82 = tpu.memref_squeeze %dma_start3A_81 : memref<1x10000x64xf32, #tpu.memory_space<hbm>> -> memref<10000x64xf32, #tpu.memory_space<hbm>>
      %dma_start3A_83 = arith.constant 0 : i32
      %dma_start3A_84 = arith.constant 0 : i32
      %dma_start3A_85 = tpu.memref_slice %dma_start3A_82[%dma_start3A_83, %dma_start3A_84] : memref<10000x64xf32, #tpu.memory_space<hbm>> -> memref<10000x64xf32, #tpu.memory_space<hbm>>
      tpu.enqueue_indirect_dma source(%dma_start3A_85 : memref<10000x64xf32, #tpu.memory_space<hbm>>) target(%arg8 : memref<128x64xf32, #tpu.memory_space<vmem>>) offsets(%dma_start3A_78 : memref<128xi32, #tpu.memory_space<vmem>>) semaphore(%arg12 : memref<!tpu.dma_semaphore, #tpu.memory_space<semaphore_mem>>)
      %add3A_86 = arith.constant 1 : i32
      %add3A_87 = arith.addi %mul3A_58, %add3A_86 : i32
      %dma_start3A_88 = arith.constant 0 : i32
      %dma_start3A_89 = tpu.memref_slice %arg6[%add3A_87, %dma_start3A_88] : memref<159x128xi32, #tpu.memory_space<vmem>> -> memref<1x128xi32, #tpu.memory_space<vmem>>
      %dma_start3A_90 = tpu.memref_squeeze %dma_start3A_89 : memref<1x128xi32, #tpu.memory_space<vmem>> -> memref<128xi32, #tpu.memory_space<vmem>>
      %dma_start3A_91 = arith.constant 0 : i32
      %dma_start3A_92 = arith.constant 0 : i32
      %dma_start3A_93 = tpu.memref_slice %arg2[%arg0, %dma_start3A_91, %dma_start3A_92] : memref<2x10000x64xf32, #tpu.memory_space<hbm>> -> memref<1x10000x64xf32, #tpu.memory_space<hbm>>
      %dma_start3A_94 = tpu.memref_squeeze %dma_start3A_93 : memref<1x10000x64xf32, #tpu.memory_space<hbm>> -> memref<10000x64xf32, #tpu.memory_space<hbm>>
      %dma_start3A_95 = arith.constant 0 : i32
      %dma_start3A_96 = arith.constant 0 : i32
      %dma_start3A_97 = tpu.memref_slice %dma_start3A_94[%dma_start3A_95, %dma_start3A_96] : memref<10000x64xf32, #tpu.memory_space<hbm>> -> memref<10000x64xf32, #tpu.memory_space<hbm>>
      tpu.enqueue_indirect_dma source(%dma_start3A_97 : memref<10000x64xf32, #tpu.memory_space<hbm>>) target(%arg9 : memref<128x64xf32, #tpu.memory_space<vmem>>) offsets(%dma_start3A_90 : memref<128xi32, #tpu.memory_space<vmem>>) semaphore(%arg13 : memref<!tpu.dma_semaphore, #tpu.memory_space<semaphore_mem>>)
      %dma_wait3A_98 = arith.constant 0 : i32
      %dma_wait3A_99 = tpu.memref_slice %arg6[%add3A_75, %dma_wait3A_98] : memref<159x128xi32, #tpu.memory_space<vmem>> -> memref<1x128xi32, #tpu.memory_space<vmem>>
      %dma_wait3A_100 = tpu.memref_squeeze %dma_wait3A_99 : memref<1x128xi32, #tpu.memory_space<vmem>> -> memref<128xi32, #tpu.memory_space<vmem>>
      %dma_wait3A_101 = arith.constant 0 : i32
      %dma_wait3A_102 = arith.constant 0 : i32
      %dma_wait3A_103 = tpu.memref_slice %arg2[%arg0, %dma_wait3A_101, %dma_wait3A_102] : memref<2x10000x64xf32, #tpu.memory_space<hbm>> -> memref<1x10000x64xf32, #tpu.memory_space<hbm>>
      %dma_wait3A_104 = tpu.memref_squeeze %dma_wait3A_103 : memref<1x10000x64xf32, #tpu.memory_space<hbm>> -> memref<10000x64xf32, #tpu.memory_space<hbm>>
      %dma_wait3A_105 = arith.constant 0 : i32
      %dma_wait3A_106 = arith.constant 0 : i32
      %dma_wait3A_107 = tpu.memref_slice %dma_wait3A_104[%dma_wait3A_105, %dma_wait3A_106] : memref<10000x64xf32, #tpu.memory_space<hbm>> -> memref<10000x64xf32, #tpu.memory_space<hbm>>
      tpu.wait_indirect_dma semaphore(%arg12 : memref<!tpu.dma_semaphore, #tpu.memory_space<semaphore_mem>>) src(%dma_wait3A_107 : memref<10000x64xf32, #tpu.memory_space<hbm>>) dst(%arg8 : memref<128x64xf32, #tpu.memory_space<vmem>>)
      %add3A_108 = arith.constant 0 : i32
      %add3A_109 = arith.addi %mul3A_58, %add3A_108 : i32
      %dma_start3A_110 = arith.constant 0 : i32
      %dma_start3A_111 = tpu.memref_slice %arg7[%add3A_109, %dma_start3A_110] : memref<159x128xi32, #tpu.memory_space<vmem>> -> memref<1x128xi32, #tpu.memory_space<vmem>>
      %dma_start3A_112 = tpu.memref_squeeze %dma_start3A_111 : memref<1x128xi32, #tpu.memory_space<vmem>> -> memref<128xi32, #tpu.memory_space<vmem>>
      %dma_start3A_113 = arith.constant 0 : i32
      %dma_start3A_114 = arith.constant 0 : i32
      %dma_start3A_115 = tpu.memref_slice %arg11[%dma_start3A_113, %dma_start3A_114] : memref<10240x64xf32, #tpu.memory_space<vmem_shared>> -> memref<10240x64xf32, #tpu.memory_space<vmem_shared>>
      tpu.enqueue_indirect_dma source(%arg8 : memref<128x64xf32, #tpu.memory_space<vmem>>) target(%dma_start3A_115 : memref<10240x64xf32, #tpu.memory_space<vmem_shared>>) offsets(%dma_start3A_112 : memref<128xi32, #tpu.memory_space<vmem>>) semaphore(%arg14 : memref<!tpu.dma_semaphore, #tpu.memory_space<semaphore_mem>>) {add = true}
      %dma_wait3A_116 = arith.constant 0 : i32
      %dma_wait3A_117 = tpu.memref_slice %arg6[%add3A_87, %dma_wait3A_116] : memref<159x128xi32, #tpu.memory_space<vmem>> -> memref<1x128xi32, #tpu.memory_space<vmem>>
      %dma_wait3A_118 = tpu.memref_squeeze %dma_wait3A_117 : memref<1x128xi32, #tpu.memory_space<vmem>> -> memref<128xi32, #tpu.memory_space<vmem>>
      %dma_wait3A_119 = arith.constant 0 : i32
      %dma_wait3A_120 = arith.constant 0 : i32
      %dma_wait3A_121 = tpu.memref_slice %arg2[%arg0, %dma_wait3A_119, %dma_wait3A_120] : memref<2x10000x64xf32, #tpu.memory_space<hbm>> -> memref<1x10000x64xf32, #tpu.memory_space<hbm>>
      %dma_wait3A_122 = tpu.memref_squeeze %dma_wait3A_121 : memref<1x10000x64xf32, #tpu.memory_space<hbm>> -> memref<10000x64xf32, #tpu.memory_space<hbm>>
      %dma_wait3A_123 = arith.constant 0 : i32
      %dma_wait3A_124 = arith.constant 0 : i32
      %dma_wait3A_125 = tpu.memref_slice %dma_wait3A_122[%dma_wait3A_123, %dma_wait3A_124] : memref<10000x64xf32, #tpu.memory_space<hbm>> -> memref<10000x64xf32, #tpu.memory_space<hbm>>
      tpu.wait_indirect_dma semaphore(%arg13 : memref<!tpu.dma_semaphore, #tpu.memory_space<semaphore_mem>>) src(%dma_wait3A_125 : memref<10000x64xf32, #tpu.memory_space<hbm>>) dst(%arg9 : memref<128x64xf32, #tpu.memory_space<vmem>>)
      %add3A_126 = arith.constant 1 : i32
      %add3A_127 = arith.addi %mul3A_58, %add3A_126 : i32
      %dma_start3A_128 = arith.constant 0 : i32
      %dma_start3A_129 = tpu.memref_slice %arg7[%add3A_127, %dma_start3A_128] : memref<159x128xi32, #tpu.memory_space<vmem>> -> memref<1x128xi32, #tpu.memory_space<vmem>>
      %dma_start3A_130 = tpu.memref_squeeze %dma_start3A_129 : memref<1x128xi32, #tpu.memory_space<vmem>> -> memref<128xi32, #tpu.memory_space<vmem>>
      %dma_start3A_131 = arith.constant 0 : i32
      %dma_start3A_132 = arith.constant 0 : i32
      %dma_start3A_133 = tpu.memref_slice %arg11[%dma_start3A_131, %dma_start3A_132] : memref<10240x64xf32, #tpu.memory_space<vmem_shared>> -> memref<10240x64xf32, #tpu.memory_space<vmem_shared>>
      tpu.enqueue_indirect_dma source(%arg9 : memref<128x64xf32, #tpu.memory_space<vmem>>) target(%dma_start3A_133 : memref<10240x64xf32, #tpu.memory_space<vmem_shared>>) offsets(%dma_start3A_130 : memref<128xi32, #tpu.memory_space<vmem>>) semaphore(%arg15 : memref<!tpu.dma_semaphore, #tpu.memory_space<semaphore_mem>>) {add = true}
    }
    %scan3A_33 = arith.constant 79 : i32
    %dma_wait3A = arith.constant 0 : i32
    %dma_wait3A_34 = arith.constant 0 : i32
    %dma_wait3A_35 = tpu.memref_slice %arg5[%arg0, %dma_wait3A, %dma_wait3A_34] : memref<2x10240x64xf32, #tpu.memory_space<hbm>> -> memref<1x128x64xf32, #tpu.memory_space<hbm>>
    %dma_wait3A_36 = tpu.memref_squeeze %dma_wait3A_35 : memref<1x128x64xf32, #tpu.memory_space<hbm>> -> memref<128x64xf32, #tpu.memory_space<hbm>>
    %dma_wait3A_37 = arith.constant 0 : i32
    %dma_wait3A_38 = arith.constant 0 : i32
    %dma_wait3A_39 = tpu.memref_slice %arg5[%arg0, %dma_wait3A_37, %dma_wait3A_38] : memref<2x10240x64xf32, #tpu.memory_space<hbm>> -> memref<1x128x64xf32, #tpu.memory_space<hbm>>
    %dma_wait3A_40 = tpu.memref_squeeze %dma_wait3A_39 : memref<1x128x64xf32, #tpu.memory_space<hbm>> -> memref<128x64xf32, #tpu.memory_space<hbm>>
    tpu.wait_dma2 semaphore(%arg14 : memref<!tpu.dma_semaphore, #tpu.memory_space<semaphore_mem>>) src(%dma_wait3A_40 : memref<128x64xf32, #tpu.memory_space<hbm>>) dst(%arg8 : memref<128x64xf32, #tpu.memory_space<vmem>>)
    %dma_wait3A_41 = arith.constant 0 : i32
    %dma_wait3A_42 = arith.constant 0 : i32
    %dma_wait3A_43 = tpu.memref_slice %arg5[%arg0, %dma_wait3A_41, %dma_wait3A_42] : memref<2x10240x64xf32, #tpu.memory_space<hbm>> -> memref<1x128x64xf32, #tpu.memory_space<hbm>>
    %dma_wait3A_44 = tpu.memref_squeeze %dma_wait3A_43 : memref<1x128x64xf32, #tpu.memory_space<hbm>> -> memref<128x64xf32, #tpu.memory_space<hbm>>
    %dma_wait3A_45 = arith.constant 0 : i32
    %dma_wait3A_46 = arith.constant 0 : i32
    %dma_wait3A_47 = tpu.memref_slice %arg5[%arg0, %dma_wait3A_45, %dma_wait3A_46] : memref<2x10240x64xf32, #tpu.memory_space<hbm>> -> memref<1x128x64xf32, #tpu.memory_space<hbm>>
    %dma_wait3A_48 = tpu.memref_squeeze %dma_wait3A_47 : memref<1x128x64xf32, #tpu.memory_space<hbm>> -> memref<128x64xf32, #tpu.memory_space<hbm>>
    tpu.wait_dma2 semaphore(%arg15 : memref<!tpu.dma_semaphore, #tpu.memory_space<semaphore_mem>>) src(%dma_wait3A_48 : memref<128x64xf32, #tpu.memory_space<hbm>>) dst(%arg9 : memref<128x64xf32, #tpu.memory_space<vmem>>)
    %barrier3A_49 = arith.constant 0 : index
    tpu.barrier barrier_id(%barrier3A_49)
    %scan3A_50 = arith.constant 0 : i32
    %scan3A_51 = arith.constant 0 : i32
    %scan3A_52 = arith.constant 5 : i32
    %scan3A_53 = arith.addi %scan3A_51, %scan3A_52 : i32
    %scan3A_54 = arith.constant 1 : i32
    scf.for %scan3A_56 = %scan3A_51 to %scan3A_53 step %scan3A_54  : i32 {
      %mul3A_57 = arith.constant 128 : i32
      %mul3A_58 = arith.muli %scan3A_56, %mul3A_57 : i32
      %add3A = arith.addi %mul3A_8, %mul3A_58 : i32
      "tpu.region"() ({
        %run_scoped3A = tpu.sem_alloc : memref<!tpu.dma_semaphore, #tpu.memory_space<semaphore_mem>>
        %dma_start3A_59 = arith.constant 0 : i32
        %dma_start3A_60 = tpu.memref_slice %arg5[%arg0, %add3A, %dma_start3A_59] : memref<2x10240x64xf32, #tpu.memory_space<hbm>> -> memref<1x128x64xf32, #tpu.memory_space<hbm>>
        %dma_start3A_61 = tpu.memref_squeeze %dma_start3A_60 : memref<1x128x64xf32, #tpu.memory_space<hbm>> -> memref<128x64xf32, #tpu.memory_space<hbm>>
        %dma_start3A_62 = arith.constant 0 : i32
        %dma_start3A_63 = tpu.memref_slice %arg11[%add3A, %dma_start3A_62] : memref<10240x64xf32, #tpu.memory_space<vmem_shared>> -> memref<128x64xf32, #tpu.memory_space<vmem_shared>>
        tpu.enqueue_dma source(%dma_start3A_63 : memref<128x64xf32, #tpu.memory_space<vmem_shared>>) target(%dma_start3A_61 : memref<128x64xf32, #tpu.memory_space<hbm>>) target_semaphore(%run_scoped3A : memref<!tpu.dma_semaphore, #tpu.memory_space<semaphore_mem>>)
        %dma_wait3A_64 = arith.constant 0 : i32
        %dma_wait3A_65 = tpu.memref_slice %arg5[%arg0, %add3A, %dma_wait3A_64] : memref<2x10240x64xf32, #tpu.memory_space<hbm>> -> memref<1x128x64xf32, #tpu.memory_space<hbm>>
        %dma_wait3A_66 = tpu.memref_squeeze %dma_wait3A_65 : memref<1x128x64xf32, #tpu.memory_space<hbm>> -> memref<128x64xf32, #tpu.memory_space<hbm>>
        %dma_wait3A_67 = arith.constant 0 : i32
        %dma_wait3A_68 = tpu.memref_slice %arg11[%add3A, %dma_wait3A_67] : memref<10240x64xf32, #tpu.memory_space<vmem_shared>> -> memref<128x64xf32, #tpu.memory_space<vmem_shared>>
        tpu.wait_dma2 semaphore(%run_scoped3A : memref<!tpu.dma_semaphore, #tpu.memory_space<semaphore_mem>>) src(%dma_wait3A_68 : memref<128x64xf32, #tpu.memory_space<vmem_shared>>) dst(%dma_wait3A_66 : memref<128x64xf32, #tpu.memory_space<hbm>>)
        tpu.yield
      }) : () -> ()
    }
    %scan3A_55 = arith.constant 5 : i32
    return
  }
}

module attributes {stable_mosaic.version = 14 : i64} {
  func.func @_layer_body(%arg0: i32, %arg1: memref<2x1000x64xf32, #tpu.memory_space<vmem>>, %arg2: memref<2x1000x64xf32, #tpu.memory_space<vmem>>, %arg3: memref<1000x16xf32, #tpu.memory_space<vmem>>, %arg4: memref<128x128xf32, #tpu.memory_space<vmem>>, %arg5: memref<128x128xf32, #tpu.memory_space<vmem>>, %arg6: memref<2x1000x64xf32, #tpu.memory_space<vmem>>) attributes {dimension_semantics = [#tpu.dimension_semantics<arbitrary>], iteration_bounds = array<i64: 10>, scalar_prefetch = 0 : i64, scratch_operands = 0 : i64, tpu.core_type = #tpu.core_type<tc>, window_params = [{transform_indices = @transform_0, window_bounds = array<i64: 2, 1000, 64>}, {transform_indices = @transform_1, window_bounds = array<i64: 2, 1000, 64>}, {transform_indices = @transform_2, window_bounds = array<i64: 1000, 16>}, {pipeline_mode = #tpu.pipeline_mode<synchronous>, transform_indices = @transform_3, window_bounds = array<i64: 128, 128>}, {pipeline_mode = #tpu.pipeline_mode<synchronous>, transform_indices = @transform_4, window_bounds = array<i64: 128, 128>}, {transform_indices = @transform_5, window_bounds = array<i64: 2, 1000, 64>}]} {
    %get3A = arith.constant 0 : index
    %get3A_0 = arith.constant 0 : index
    %get3A_1 = arith.constant 0 : index
    %get3A_2 = vector.load %arg1[%get3A, %get3A_0, %get3A_1] : memref<2x1000x64xf32, #tpu.memory_space<vmem>>, vector<1x1000x64xf32>
    %get3A_3 = vector.shape_cast %get3A_2 : vector<1x1000x64xf32> to vector<1000x64xf32>
    %get3A_4 = arith.constant 1 : index
    %get3A_5 = arith.constant 0 : index
    %get3A_6 = arith.constant 0 : index
    %get3A_7 = vector.load %arg1[%get3A_4, %get3A_5, %get3A_6] : memref<2x1000x64xf32, #tpu.memory_space<vmem>>, vector<1x1000x64xf32>
    %get3A_8 = vector.shape_cast %get3A_7 : vector<1x1000x64xf32> to vector<1000x64xf32>
    %concatenate3A = tpu.concatenate %get3A_3, %get3A_8 in 1 : vector<1000x64xf32>, vector<1000x64xf32> -> vector<1000x128xf32>
    %get3A_9 = arith.constant 0 : index
    %get3A_10 = arith.constant 0 : index
    %get3A_11 = arith.constant 0 : index
    %get3A_12 = vector.load %arg2[%get3A_9, %get3A_10, %get3A_11] : memref<2x1000x64xf32, #tpu.memory_space<vmem>>, vector<1x1000x64xf32>
    %get3A_13 = vector.shape_cast %get3A_12 : vector<1x1000x64xf32> to vector<1000x64xf32>
    %get3A_14 = arith.constant 1 : index
    %get3A_15 = arith.constant 0 : index
    %get3A_16 = arith.constant 0 : index
    %get3A_17 = vector.load %arg2[%get3A_14, %get3A_15, %get3A_16] : memref<2x1000x64xf32, #tpu.memory_space<vmem>>, vector<1x1000x64xf32>
    %get3A_18 = vector.shape_cast %get3A_17 : vector<1x1000x64xf32> to vector<1000x64xf32>
    %concatenate3A_19 = tpu.concatenate %get3A_13, %get3A_18 in 1 : vector<1000x64xf32>, vector<1000x64xf32> -> vector<1000x128xf32>
    %get3A_20 = arith.constant 0 : index
    %get3A_21 = arith.constant 0 : index
    %get3A_22 = vector.load %arg3[%get3A_20, %get3A_21] : memref<1000x16xf32, #tpu.memory_space<vmem>>, vector<1000x1xf32>
    %max3A = arith.constant 1.000000e+00 : f32
    %max3A_23 = vector.broadcast %max3A : f32 to vector<1000x1xf32>
    %max3A_24 = arith.maximumf %get3A_22, %max3A_23 : vector<1000x1xf32>
    %div3A = vector.broadcast %max3A_24 : vector<1000x1xf32> to vector<1000x128xf32>
    %div3A_25 = arith.divf %concatenate3A_19, %div3A : vector<1000x128xf32>
    %get3A_26 = arith.constant 0 : index
    %get3A_27 = arith.constant 0 : index
    %get3A_28 = vector.load %arg4[%get3A_26, %get3A_27] : memref<128x128xf32, #tpu.memory_space<vmem>>, vector<128x128xf32>
    %dot_general3A = arith.constant dense<0.000000e+00> : vector<1000x128xf32>
    %dot_general3A_29 = tpu.matmul %concatenate3A, %get3A_28, %dot_general3A {dimension_numbers = #tpu.dot_dimension_numbers<[1], [0], [0], [1], [0, 0, 1, 1], [], []>, transpose_lhs_hint = false} : vector<1000x128xf32>, vector<128x128xf32>, vector<1000x128xf32> -> vector<1000x128xf32>
    %get3A_30 = arith.constant 0 : index
    %get3A_31 = arith.constant 0 : index
    %get3A_32 = vector.load %arg5[%get3A_30, %get3A_31] : memref<128x128xf32, #tpu.memory_space<vmem>>, vector<128x128xf32>
    %dot_general3A_33 = arith.constant dense<0.000000e+00> : vector<1000x128xf32>
    %dot_general3A_34 = tpu.matmul %div3A_25, %get3A_32, %dot_general3A_33 {dimension_numbers = #tpu.dot_dimension_numbers<[1], [0], [0], [1], [0, 0, 1, 1], [], []>, transpose_lhs_hint = false} : vector<1000x128xf32>, vector<128x128xf32>, vector<1000x128xf32> -> vector<1000x128xf32>
    %add3A = arith.addf %dot_general3A_29, %dot_general3A_34 : vector<1000x128xf32>
    %gt3A = arith.constant 0.000000e+00 : f32
    %gt3A_35 = vector.broadcast %gt3A : f32 to vector<1000x128xf32>
    %gt3A_36 = arith.cmpf ogt, %add3A, %gt3A_35 : vector<1000x128xf32>
    %min3A = arith.constant 0.000000e+00 : f32
    %min3A_37 = vector.broadcast %min3A : f32 to vector<1000x128xf32>
    %min3A_38 = arith.minimumf %add3A, %min3A_37 : vector<1000x128xf32>
    %exp3A = math.exp %min3A_38 : vector<1000x128xf32>
    %sub3A = arith.constant 1.000000e+00 : f32
    %sub3A_39 = vector.broadcast %sub3A : f32 to vector<1000x128xf32>
    %sub3A_40 = arith.subf %exp3A, %sub3A_39 : vector<1000x128xf32>
    %select_n3A = arith.select %gt3A_36, %add3A, %sub3A_40 : vector<1000x128xi1>, vector<1000x128xf32>
    %slice3A = vector.extract_strided_slice %select_n3A {offsets = [0, 0], sizes = [1000, 64], strides = [1, 1]} : vector<1000x128xf32> to vector<1000x64xf32>
    %swap3A = arith.constant 0 : index
    %swap3A_41 = arith.constant 0 : index
    %swap3A_42 = arith.constant 0 : index
    %swap3A_43 = vector.load %arg6[%swap3A, %swap3A_41, %swap3A_42] : memref<2x1000x64xf32, #tpu.memory_space<vmem>>, vector<1x1000x64xf32>
    %swap3A_44 = vector.shape_cast %swap3A_43 : vector<1x1000x64xf32> to vector<1000x64xf32>
    %swap3A_45 = vector.shape_cast %slice3A : vector<1000x64xf32> to vector<1x1000x64xf32>
    tpu.vector_store %arg6[%swap3A, %swap3A_41, %swap3A_42], %swap3A_45 {strides = array<i32>} : memref<2x1000x64xf32, #tpu.memory_space<vmem>>, vector<1x1000x64xf32>,
    %slice3A_46 = vector.extract_strided_slice %select_n3A {offsets = [0, 64], sizes = [1000, 64], strides = [1, 1]} : vector<1000x128xf32> to vector<1000x64xf32>
    %swap3A_47 = arith.constant 1 : index
    %swap3A_48 = arith.constant 0 : index
    %swap3A_49 = arith.constant 0 : index
    %swap3A_50 = vector.load %arg6[%swap3A_47, %swap3A_48, %swap3A_49] : memref<2x1000x64xf32, #tpu.memory_space<vmem>>, vector<1x1000x64xf32>
    %swap3A_51 = vector.shape_cast %swap3A_50 : vector<1x1000x64xf32> to vector<1000x64xf32>
    %swap3A_52 = vector.shape_cast %slice3A_46 : vector<1000x64xf32> to vector<1x1000x64xf32>
    tpu.vector_store %arg6[%swap3A_47, %swap3A_48, %swap3A_49], %swap3A_52 {strides = array<i32>} : memref<2x1000x64xf32, #tpu.memory_space<vmem>>, vector<1x1000x64xf32>,
    return
  }
  func.func @transform_0(%arg0: i32) -> (i32, i32, i32) {
    %c0_i32 = arith.constant 0 : i32
    %c0_i32_0 = arith.constant 0 : i32
    %c0_i32_1 = arith.constant 0 : i32
    return %c0_i32, %arg0, %c0_i32_0 : i32, i32, i32
  }
  func.func @transform_1(%arg0: i32) -> (i32, i32, i32) {
    %c0_i32 = arith.constant 0 : i32
    %c0_i32_0 = arith.constant 0 : i32
    %c0_i32_1 = arith.constant 0 : i32
    return %c0_i32, %arg0, %c0_i32_0 : i32, i32, i32
  }
  func.func @transform_2(%arg0: i32) -> (i32, i32) {
    %c0_i32 = arith.constant 0 : i32
    %c0_i32_0 = arith.constant 0 : i32
    return %arg0, %c0_i32 : i32, i32
  }
  func.func @transform_3(%arg0: i32) -> (i32, i32) {
    %c0_i32 = arith.constant 0 : i32
    %c0_i32_0 = arith.constant 0 : i32
    %c0_i32_1 = arith.constant 0 : i32
    return %c0_i32, %c0_i32_0 : i32, i32
  }
  func.func @transform_4(%arg0: i32) -> (i32, i32) {
    %c0_i32 = arith.constant 0 : i32
    %c0_i32_0 = arith.constant 0 : i32
    %c0_i32_1 = arith.constant 0 : i32
    return %c0_i32, %c0_i32_0 : i32, i32
  }
  func.func @transform_5(%arg0: i32) -> (i32, i32, i32) {
    %c0_i32 = arith.constant 0 : i32
    %c0_i32_0 = arith.constant 0 : i32
    %c0_i32_1 = arith.constant 0 : i32
    return %c0_i32, %arg0, %c0_i32_0 : i32, i32, i32
  }
}

module attributes {stable_mosaic.version = 14 : i64} {
  func.func @_head_body(%arg0: i32, %arg1: memref<2x1000x64xf32, #tpu.memory_space<vmem>>, %arg2: memref<128x128xf32, #tpu.memory_space<vmem>>, %arg3: memref<1x128xf32, #tpu.memory_space<vmem>>, %arg4: memref<128x128xf32, #tpu.memory_space<vmem>>, %arg5: memref<1x128xf32, #tpu.memory_space<vmem>>, %arg6: memref<128x128xf32, #tpu.memory_space<vmem>>, %arg7: memref<1x128xf32, #tpu.memory_space<vmem>>, %arg8: memref<1000x1xi32, #tpu.memory_space<vmem>>, %arg9: memref<1x1xf32, #tpu.memory_space<vmem>>, %arg10: memref<1000x1xi32, #tpu.memory_space<vmem>>) attributes {dimension_semantics = [#tpu.dimension_semantics<arbitrary>], iteration_bounds = array<i64: 10>, scalar_prefetch = 0 : i64, scratch_operands = 0 : i64, tpu.core_type = #tpu.core_type<tc>, window_params = [{transform_indices = @transform_0, window_bounds = array<i64: 2, 1000, 64>}, {pipeline_mode = #tpu.pipeline_mode<synchronous>, transform_indices = @transform_1, window_bounds = array<i64: 128, 128>}, {pipeline_mode = #tpu.pipeline_mode<synchronous>, transform_indices = @transform_2, window_bounds = array<i64: 1, 128>}, {pipeline_mode = #tpu.pipeline_mode<synchronous>, transform_indices = @transform_3, window_bounds = array<i64: 128, 128>}, {pipeline_mode = #tpu.pipeline_mode<synchronous>, transform_indices = @transform_4, window_bounds = array<i64: 1, 128>}, {pipeline_mode = #tpu.pipeline_mode<synchronous>, transform_indices = @transform_5, window_bounds = array<i64: 128, 128>}, {pipeline_mode = #tpu.pipeline_mode<synchronous>, transform_indices = @transform_6, window_bounds = array<i64: 1, 128>}, {transform_indices = @transform_7, window_bounds = array<i64: 1000, 1>}, {pipeline_mode = #tpu.pipeline_mode<synchronous>, transform_indices = @transform_8, window_bounds = array<i64: 1, 1>}, {transform_indices = @transform_9, window_bounds = array<i64: 1000, 1>}]} {
    %get3A = arith.constant 0 : index
    %get3A_0 = arith.constant 0 : index
    %get3A_1 = arith.constant 0 : index
    %get3A_2 = vector.load %arg1[%get3A, %get3A_0, %get3A_1] : memref<2x1000x64xf32, #tpu.memory_space<vmem>>, vector<1x1000x64xf32>
    %get3A_3 = vector.shape_cast %get3A_2 : vector<1x1000x64xf32> to vector<1000x64xf32>
    %get3A_4 = arith.constant 1 : index
    %get3A_5 = arith.constant 0 : index
    %get3A_6 = arith.constant 0 : index
    %get3A_7 = vector.load %arg1[%get3A_4, %get3A_5, %get3A_6] : memref<2x1000x64xf32, #tpu.memory_space<vmem>>, vector<1x1000x64xf32>
    %get3A_8 = vector.shape_cast %get3A_7 : vector<1x1000x64xf32> to vector<1000x64xf32>
    %concatenate3A = tpu.concatenate %get3A_3, %get3A_8 in 1 : vector<1000x64xf32>, vector<1000x64xf32> -> vector<1000x128xf32>
    %get3A_9 = arith.constant 0 : index
    %get3A_10 = arith.constant 0 : index
    %get3A_11 = vector.load %arg2[%get3A_9, %get3A_10] : memref<128x128xf32, #tpu.memory_space<vmem>>, vector<128x128xf32>
    %dot_general3A = arith.constant dense<0.000000e+00> : vector<1000x128xf32>
    %dot_general3A_12 = tpu.matmul %concatenate3A, %get3A_11, %dot_general3A {dimension_numbers = #tpu.dot_dimension_numbers<[1], [0], [0], [1], [0, 0, 1, 1], [], []>, transpose_lhs_hint = false} : vector<1000x128xf32>, vector<128x128xf32>, vector<1000x128xf32> -> vector<1000x128xf32>
    %get3A_13 = arith.constant 0 : index
    %get3A_14 = arith.constant 0 : index
    %get3A_15 = vector.load %arg3[%get3A_13, %get3A_14] : memref<1x128xf32, #tpu.memory_space<vmem>>, vector<1x128xf32>
    %add3A = vector.broadcast %get3A_15 : vector<1x128xf32> to vector<1000x128xf32>
    %add3A_16 = arith.addf %dot_general3A_12, %add3A : vector<1000x128xf32>
    %get3A_17 = arith.constant 0 : index
    %get3A_18 = arith.constant 0 : index
    %get3A_19 = vector.load %arg4[%get3A_17, %get3A_18] : memref<128x128xf32, #tpu.memory_space<vmem>>, vector<128x128xf32>
    %dot_general3A_20 = arith.constant dense<0.000000e+00> : vector<1000x128xf32>
    %dot_general3A_21 = tpu.matmul %add3A_16, %get3A_19, %dot_general3A_20 {dimension_numbers = #tpu.dot_dimension_numbers<[1], [0], [0], [1], [0, 0, 1, 1], [], []>, transpose_lhs_hint = false} : vector<1000x128xf32>, vector<128x128xf32>, vector<1000x128xf32> -> vector<1000x128xf32>
    %get3A_22 = arith.constant 0 : index
    %get3A_23 = arith.constant 0 : index
    %get3A_24 = vector.load %arg5[%get3A_22, %get3A_23] : memref<1x128xf32, #tpu.memory_space<vmem>>, vector<1x128xf32>
    %add3A_25 = vector.broadcast %get3A_24 : vector<1x128xf32> to vector<1000x128xf32>
    %add3A_26 = arith.addf %dot_general3A_21, %add3A_25 : vector<1000x128xf32>
    %gt3A = arith.constant 0.000000e+00 : f32
    %gt3A_27 = vector.broadcast %gt3A : f32 to vector<1000x128xf32>
    %gt3A_28 = arith.cmpf ogt, %add3A_26, %gt3A_27 : vector<1000x128xf32>
    %min3A = arith.constant 0.000000e+00 : f32
    %min3A_29 = vector.broadcast %min3A : f32 to vector<1000x128xf32>
    %min3A_30 = arith.minimumf %add3A_26, %min3A_29 : vector<1000x128xf32>
    %exp3A = math.exp %min3A_30 : vector<1000x128xf32>
    %sub3A = arith.constant 1.000000e+00 : f32
    %sub3A_31 = vector.broadcast %sub3A : f32 to vector<1000x128xf32>
    %sub3A_32 = arith.subf %exp3A, %sub3A_31 : vector<1000x128xf32>
    %select_n3A = arith.select %gt3A_28, %add3A_26, %sub3A_32 : vector<1000x128xi1>, vector<1000x128xf32>
    %get3A_33 = arith.constant 0 : index
    %get3A_34 = arith.constant 0 : index
    %get3A_35 = vector.load %arg6[%get3A_33, %get3A_34] : memref<128x128xf32, #tpu.memory_space<vmem>>, vector<128x128xf32>
    %dot_general3A_36 = arith.constant dense<0.000000e+00> : vector<1000x128xf32>
    %dot_general3A_37 = tpu.matmul %select_n3A, %get3A_35, %dot_general3A_36 {dimension_numbers = #tpu.dot_dimension_numbers<[1], [0], [0], [1], [0, 0, 1, 1], [], []>, transpose_lhs_hint = false} : vector<1000x128xf32>, vector<128x128xf32>, vector<1000x128xf32> -> vector<1000x128xf32>
    %get3A_38 = arith.constant 0 : index
    %get3A_39 = arith.constant 0 : index
    %get3A_40 = vector.load %arg7[%get3A_38, %get3A_39] : memref<1x128xf32, #tpu.memory_space<vmem>>, vector<1x128xf32>
    %add3A_41 = vector.broadcast %get3A_40 : vector<1x128xf32> to vector<1000x128xf32>
    %add3A_42 = arith.addf %dot_general3A_37, %add3A_41 : vector<1000x128xf32>
    %iota3A = tpu.iota {dimensions = array<i32: 1>} : vector<1000x128xi32>
    %lt3A = arith.constant 45 : i32
    %lt3A_43 = vector.broadcast %lt3A : i32 to vector<1000x128xi32>
    %lt3A_44 = arith.cmpi slt, %iota3A, %lt3A_43 : vector<1000x128xi32>
    %jit3A = arith.constant -1.000000e+30 : f32
    %broadcast_in_dim3A = vector.broadcast %jit3A : f32 to vector<1000x128xf32>
    %select_n3A_45 = arith.select %lt3A_44, %add3A_42, %broadcast_in_dim3A : vector<1000x128xi1>, vector<1000x128xf32>
    %reduce_max3A = arith.constant dense<0xFF800000> : vector<1000xf32>
    %reduce_max3A_46 = vector.multi_reduction <maximumf>, %select_n3A_45, %reduce_max3A [1] : vector<1000x128xf32> to vector<1000xf32>
    %broadcast_in_dim3A_47 = vector.shape_cast %reduce_max3A_46 : vector<1000xf32> to vector<1000x1xf32>
    %sub3A_48 = vector.broadcast %broadcast_in_dim3A_47 : vector<1000x1xf32> to vector<1000x128xf32>
    %sub3A_49 = arith.subf %select_n3A_45, %sub3A_48 : vector<1000x128xf32>
    %exp3A_50 = math.exp %sub3A_49 : vector<1000x128xf32>
    %reduce_sum3A = arith.constant dense<0.000000e+00> : vector<1000xf32>
    %reduce_sum3A_51 = vector.multi_reduction <add>, %exp3A_50, %reduce_sum3A [1] : vector<1000x128xf32> to vector<1000xf32>
    %broadcast_in_dim3A_52 = vector.shape_cast %reduce_sum3A_51 : vector<1000xf32> to vector<1000x1xf32>
    %log3A = math.log %broadcast_in_dim3A_52 : vector<1000x1xf32>
    %get3A_53 = arith.constant 0 : index
    %get3A_54 = arith.constant 0 : index
    %get3A_55 = vector.load %arg8[%get3A_53, %get3A_54] : memref<1000x1xi32, #tpu.memory_space<vmem>>, vector<1000x1xi32>
    %eq3A = vector.broadcast %get3A_55 : vector<1000x1xi32> to vector<1000x128xi32>
    %eq3A_56 = arith.cmpi eq, %iota3A, %eq3A : vector<1000x128xi32>
    %jit3A_57 = arith.constant 0.000000e+00 : f32
    %broadcast_in_dim3A_58 = vector.broadcast %jit3A_57 : f32 to vector<1000x128xf32>
    %select_n3A_59 = arith.select %eq3A_56, %select_n3A_45, %broadcast_in_dim3A_58 : vector<1000x128xi1>, vector<1000x128xf32>
    %reduce_sum3A_60 = arith.constant dense<0.000000e+00> : vector<1000xf32>
    %reduce_sum3A_61 = vector.multi_reduction <add>, %select_n3A_59, %reduce_sum3A_60 [1] : vector<1000x128xf32> to vector<1000xf32>
    %broadcast_in_dim3A_62 = vector.shape_cast %reduce_sum3A_61 : vector<1000xf32> to vector<1000x1xf32>
    %sub3A_63 = arith.subf %broadcast_in_dim3A_62, %broadcast_in_dim3A_47 : vector<1000x1xf32>
    %sub3A_64 = arith.subf %sub3A_63, %log3A : vector<1000x1xf32>
    %reduce_sum3A_65 = vector.shape_cast %sub3A_64 : vector<1000x1xf32> to vector<1x1000x1xf32>
    %reduce_sum3A_66 = arith.constant dense<0.000000e+00> : vector<1xf32>
    %reduce_sum3A_67 = vector.multi_reduction <add>, %reduce_sum3A_65, %reduce_sum3A_66 [1, 2] : vector<1x1000x1xf32> to vector<1xf32>
    %reduce_sum3A_68 = vector.shape_cast %reduce_sum3A_67 : vector<1xf32> to vector<1x1x1xf32>
    %reduce_sum3A_69 = vector.extract %reduce_sum3A_68[0, 0, 0] : f32 from vector<1x1x1xf32>
    %broadcast_in_dim3A_70 = vector.broadcast %reduce_sum3A_69 : f32 to vector<1x1xf32>
    %neg3A = arith.constant 0.000000e+00 : f32
    %neg3A_71 = vector.broadcast %neg3A : f32 to vector<1x1xf32>
    %neg3A_72 = arith.subf %neg3A_71, %broadcast_in_dim3A_70 : vector<1x1xf32>
    %mul3A = arith.constant 9.99999974E-5 : f32
    %mul3A_73 = vector.broadcast %mul3A : f32 to vector<1x1xf32>
    %mul3A_74 = arith.mulf %neg3A_72, %mul3A_73 : vector<1x1xf32>
    %eq3A_75 = arith.constant 0 : i32
    %eq3A_76 = arith.cmpi eq, %arg0, %eq3A_75 : i32
    %convert_element_type3A = arith.extui %eq3A_76 : i1 to i32
    %cond3A = arith.constant 0 : i32
    %cond3A_77 = arith.cmpi ne, %convert_element_type3A, %cond3A : i32
    scf.if %cond3A_77 {
      %broadcast_in_dim3A_94 = arith.constant 0.000000e+00 : f32
      %broadcast_in_dim3A_95 = vector.broadcast %broadcast_in_dim3A_94 : f32 to vector<1x1xf32>
      %swap3A_96 = arith.constant 0 : index
      %swap3A_97 = arith.constant 0 : index
      %swap3A_98 = vector.load %arg9[%swap3A_96, %swap3A_97] : memref<1x1xf32, #tpu.memory_space<vmem>>, vector<1x1xf32>
      tpu.vector_store %arg9[%swap3A_96, %swap3A_97], %broadcast_in_dim3A_95 {strides = array<i32>} : memref<1x1xf32, #tpu.memory_space<vmem>>, vector<1x1xf32>,
    } else {
    }
    %get3A_78 = arith.constant 0 : index
    %get3A_79 = arith.constant 0 : index
    %get3A_80 = vector.load %arg9[%get3A_78, %get3A_79] : memref<1x1xf32, #tpu.memory_space<vmem>>, vector<1x1xf32>
    %add3A_81 = arith.addf %get3A_80, %mul3A_74 : vector<1x1xf32>
    %swap3A = arith.constant 0 : index
    %swap3A_82 = arith.constant 0 : index
    %swap3A_83 = vector.load %arg9[%swap3A, %swap3A_82] : memref<1x1xf32, #tpu.memory_space<vmem>>, vector<1x1xf32>
    tpu.vector_store %arg9[%swap3A, %swap3A_82], %add3A_81 {strides = array<i32>} : memref<1x1xf32, #tpu.memory_space<vmem>>, vector<1x1xf32>,
    %eq3A_84 = vector.broadcast %broadcast_in_dim3A_47 : vector<1000x1xf32> to vector<1000x128xf32>
    %eq3A_85 = arith.cmpf oeq, %select_n3A_45, %eq3A_84 : vector<1000x128xf32>
    %jit3A_86 = arith.constant 128 : i32
    %broadcast_in_dim3A_87 = vector.broadcast %jit3A_86 : i32 to vector<1000x128xi32>
    %select_n3A_88 = arith.select %eq3A_85, %iota3A, %broadcast_in_dim3A_87 : vector<1000x128xi1>, vector<1000x128xi32>
    %reduce_min3A = arith.constant dense<2147483647> : vector<1000xi32>
    %reduce_min3A_89 = vector.multi_reduction <minsi>, %select_n3A_88, %reduce_min3A [1] : vector<1000x128xi32> to vector<1000xi32>
    %broadcast_in_dim3A_90 = vector.shape_cast %reduce_min3A_89 : vector<1000xi32> to vector<1000x1xi32>
    %swap3A_91 = arith.constant 0 : index
    %swap3A_92 = arith.constant 0 : index
    %swap3A_93 = vector.load %arg10[%swap3A_91, %swap3A_92] : memref<1000x1xi32, #tpu.memory_space<vmem>>, vector<1000x1xi32>
    tpu.vector_store %arg10[%swap3A_91, %swap3A_92], %broadcast_in_dim3A_90 {strides = array<i32>} : memref<1000x1xi32, #tpu.memory_space<vmem>>, vector<1000x1xi32>,
    return
  }
  func.func @transform_0(%arg0: i32) -> (i32, i32, i32) {
    %c0_i32 = arith.constant 0 : i32
    %c0_i32_0 = arith.constant 0 : i32
    %c0_i32_1 = arith.constant 0 : i32
    return %c0_i32, %arg0, %c0_i32_0 : i32, i32, i32
  }
  func.func @transform_1(%arg0: i32) -> (i32, i32) {
    %c0_i32 = arith.constant 0 : i32
    %c0_i32_0 = arith.constant 0 : i32
    %c0_i32_1 = arith.constant 0 : i32
    return %c0_i32, %c0_i32_0 : i32, i32
  }
  func.func @transform_2(%arg0: i32) -> (i32, i32) {
    %c0_i32 = arith.constant 0 : i32
    %c0_i32_0 = arith.constant 0 : i32
    %c0_i32_1 = arith.constant 0 : i32
    return %c0_i32, %c0_i32_0 : i32, i32
  }
  func.func @transform_3(%arg0: i32) -> (i32, i32) {
    %c0_i32 = arith.constant 0 : i32
    %c0_i32_0 = arith.constant 0 : i32
    %c0_i32_1 = arith.constant 0 : i32
    return %c0_i32, %c0_i32_0 : i32, i32
  }
  func.func @transform_4(%arg0: i32) -> (i32, i32) {
    %c0_i32 = arith.constant 0 : i32
    %c0_i32_0 = arith.constant 0 : i32
    %c0_i32_1 = arith.constant 0 : i32
    return %c0_i32, %c0_i32_0 : i32, i32
  }
  func.func @transform_5(%arg0: i32) -> (i32, i32) {
    %c0_i32 = arith.constant 0 : i32
    %c0_i32_0 = arith.constant 0 : i32
    %c0_i32_1 = arith.constant 0 : i32
    return %c0_i32, %c0_i32_0 : i32, i32
  }
  func.func @transform_6(%arg0: i32) -> (i32, i32) {
    %c0_i32 = arith.constant 0 : i32
    %c0_i32_0 = arith.constant 0 : i32
    %c0_i32_1 = arith.constant 0 : i32
    return %c0_i32, %c0_i32_0 : i32, i32
  }
  func.func @transform_7(%arg0: i32) -> (i32, i32) {
    %c0_i32 = arith.constant 0 : i32
    %c0_i32_0 = arith.constant 0 : i32
    return %arg0, %c0_i32 : i32, i32
  }
  func.func @transform_8(%arg0: i32) -> (i32, i32) {
    %c0_i32 = arith.constant 0 : i32
    %c0_i32_0 = arith.constant 0 : i32
    %c0_i32_1 = arith.constant 0 : i32
    return %c0_i32, %c0_i32_0 : i32, i32
  }
  func.func @transform_9(%arg0: i32) -> (i32, i32) {
    %c0_i32 = arith.constant 0 : i32
    %c0_i32_0 = arith.constant 0 : i32
    return %arg0, %c0_i32 : i32, i32
  }
}

</mosaic_0001>

<sc_bundles>
// kernel: kernel.10.cloned.1.call-start
scs
__scs_entry_jumppad:
0x0: {  	(pc) =	sbr.rel $0x88, $3  }
0x1: {  	(tag) =	ssettag $0x0;
	lr =	simm.s32 $0x1  }
0x2: {  	[smem:$0x3F94] =	sst lr;
	_ =	strace $0xD0000000  }
0x3: {  	_ = 	snop  }
0x4: {  	_ = 	snop  }
0x5: {  	_ = 	snop  }
0x6: {  	_ = 	snop  }
0x7: {  	_ = 	snop  }
__scs_overlays_trampoline_lowered:
0x8: {  	[smem:$0x3FA3] =	sst s0  }
0x9: {  	[smem:$0x3FA4] =	sst s1  }
0xa: {  	[smem:$0x3FA5] =	sst s2  }
0xb: {  	[smem:$0x3FA6] =	sst s3  }
0xc: {  	[smem:$0x3FA7] =	sst s4  }
0xd: {  	[smem:$0x3FA8] =	sst s5  }
0xe: {  	[smem:$0x3FA9] =	sst s6  }
0xf: {  	[smem:$0x3FAA] =	sst s7  }
0x10: {  	[smem:$0x3FAB] =	sst s8  }
0x11: {  	[smem:$0x3FAC] =	sst s9;
	s0 =	simm.s32 @!p0 $0x0  }
0x12: {  	s1 =	sld [smem:$0x3F92];
	s0 =	simm.s32 @p0 $0x1  }
0x13: {  	[smem:$0x3FAD] =	sst s0;
	s0 =	simm.s32 @!p1 $0x0  }
0x14: {  	s2 =	sld [smem:$0x3F91];
	s0 =	simm.s32 @p1 $0x1  }
0x15: {  	[smem:$0x3FAE] =	sst s0;
	s0 =	simm.s32 @!p2 $0x0  }
0x16: {  	s3 =	sld [smem:$0x3FDB];
	s0 =	simm.s32 @p2 $0x1  }
0x17: {  	s4 =	simm.s32 $0x1BF5;
	[smem:$0x3FB0] =	sst s0  }
0x18: {  	s0 =	sld [smem:$0x3F93];
	_ =	swait.ge [sflag:s4], $0x0  }
0x19: {  	s7 =	sld [smem:$0x3F94]  }
0x1a: {  	s8 =	sadd.s32 $0xFFFFE003, lr  }
0x1b: {  	s9 =	sadd.s32 $0xFFFFFEF7, lr;
	s5 =	simm.s32 $0xFFFFFFFF;
	p2 =	slt.u32 s8, $0xFFFFF086  }
0x1c: {  	p1 =	slt.u32 s9, $0xF7A;
	s5 =	simm.s32 @!p2 $0x0  }
0x1d: {  	s5 =	simm.s32 @p1 $0x1;
	p0 =	seq.s32 s7, s2  }
0x1e: {  	s7 =	smul.u32 @!p0 $0xF7A, s2;
	p2 =	seq.s32 @!p0 s5, $0x0  }
0x1f: {  	s9 =	smul.u32 $0xF7A, s1;
	s8 =	simm.s32 @!p0 $0x1BF5;
	p2 =	por !p2, p0  }
0x20: {  	[sflag:s8] =	ssyncset.s32 @!p0 $0xFFFFF086;
	s6 =	sadd.s32 @!p0 s3, s7;
	s7 =	simm.s32 @!p0 $0x108  }
0x21: {  	s3 =	sadd.s32 s3, s9;
	s6 =	sadd.s32 @!p0 $0x88, s6;
	s7 =	simm.s32 @p2 $0x1082  }
0x22: {  	[simem:s7], [sflag:s8] =	dma.local @!p0 [hbm:s6], $0xF7A  }
0x23: {  	s9 =	sor.u32 $0xD0000000, s2;
	s6 =	simm.s32 $0x108;
	_ =	swait.ge @!p0 [sflag:s8], $0x0  }
0x24: {  	s3 =	sadd.s32 $0x88, s3;
	s6 =	simm.s32 @!p1 $0x1082;
	[sflag:s4] =	ssyncset.s32 $0xFFFFF086  }
0x25: {  	[simem:s6], [sflag:s4] =	dma.local [hbm:s3], $0xF7A  }
0x26: {  	[smem:$0x3F94] =	sst s1;
	(tag) =	ssettag s2;
	_ =	strace s9  }
0x27: {  	s1 =	sld [smem:$0x3FA4]  }
0x28: {  	s2 =	sld [smem:$0x3FA5]  }
0x29: {  	s4 =	sld [smem:$0x3FA7]  }
0x2a: {  	p0 =	seq.s32 s5, $0x0;
	s5 =	sld [smem:$0x3FA8]  }
0x2b: {  	s6 =	sld [smem:$0x3FA9]  }
0x2c: {  	s7 =	sld [smem:$0x3FAA]  }
0x2d: {  	s3 =	simm.s32 $0x108;
	s8 =	sld [smem:$0x3FAB]  }
0x2e: {  	s3 =	simm.s32 @!p0 $0x1082;
	s9 =	sld [smem:$0x3FAC]  }
0x2f: {  	lr =	sadd.s32 s0, s3;
	s0 =	sld [smem:$0x3FA3]  }
0x30: {  	s3 =	sld [smem:$0x3FA6]  }
0x31: {  	[smem:$0x3FAF] =	sst s10  }
0x32: {  	s10 =	sld [smem:$0x3FAD];
	_ =	sdelay $0x3  }
0x33: {  	p0 =	seq.s32 s10, $0x1;
	s10 =	sld [smem:$0x3FAF];
	_ =	sdelay $0x3  }
0x34: {  	[smem:$0x3FAF] =	sst s10  }
0x35: {  	s10 =	sld [smem:$0x3FAE];
	_ =	sdelay $0x3  }
0x36: {  	p1 =	seq.s32 s10, $0x1;
	s10 =	sld [smem:$0x3FAF];
	_ =	sdelay $0x3  }
0x37: {  	[smem:$0x3FAF] =	sst s10  }
0x38: {  	s10 =	sld [smem:$0x3FB0]  }
0x39: {  	_ = 	snop;
	(pc) =	sbr.ind lr, $3  }
0x3a: {  	_ = 	snop  }
0x3b: {  	_ = 	snop  }
0x3c: {  	p2 =	seq.s32 s10, $0x1;
	s10 =	sld [smem:$0x3FAF]  }
0x3d: {  	_ =	shalt  }
0x3e: {  	_ =	shalt  }
0x3f: {  	_ =	shalt  }
0x40: {  	_ =	shalt  }
0x41: {  	_ =	shalt  }
0x42: {  	_ =	shalt  }
0x43: {  	_ =	shalt  }
0x44: {  	_ =	shalt  }
0x45: {  	_ =	shalt  }
0x46: {  	_ =	shalt  }
0x47: {  	_ =	shalt  }
0x48: {  	_ =	shalt  }
0x49: {  	_ =	shalt  }
0x4a: {  	_ =	shalt  }
0x4b: {  	_ =	shalt  }
0x4c: {  	_ =	shalt  }
0x4d: {  	_ =	shalt  }
0x4e: {  	_ =	shalt  }
0x4f: {  	_ =	shalt  }
0x50: {  	_ =	shalt  }
0x51: {  	_ =	shalt  }
0x52: {  	_ =	shalt  }
0x53: {  	_ =	shalt  }
0x54: {  	_ =	shalt  }
0x55: {  	_ =	shalt  }
0x56: {  	_ =	shalt  }
0x57: {  	_ =	shalt  }
0x58: {  	_ =	shalt  }
0x59: {  	_ =	shalt  }
0x5a: {  	_ =	shalt  }
0x5b: {  	_ =	shalt  }
0x5c: {  	_ =	shalt  }
0x5d: {  	_ =	shalt  }
0x5e: {  	_ =	shalt  }
0x5f: {  	_ =	shalt  }
0x60: {  	_ =	shalt  }
0x61: {  	_ =	shalt  }
0x62: {  	_ =	shalt  }
0x63: {  	_ =	shalt  }
0x64: {  	_ =	shalt  }
0x65: {  	_ =	shalt  }
0x66: {  	_ =	shalt  }
0x67: {  	_ =	shalt  }
0x68: {  	_ =	shalt  }
0x69: {  	_ =	shalt  }
0x6a: {  	_ =	shalt  }
0x6b: {  	_ =	shalt  }
0x6c: {  	_ =	shalt  }
0x6d: {  	_ =	shalt  }
0x6e: {  	_ =	shalt  }
0x6f: {  	_ =	shalt  }
0x70: {  	_ =	shalt  }
0x71: {  	_ =	shalt  }
0x72: {  	_ =	shalt  }
0x73: {  	_ =	shalt  }
0x74: {  	_ =	shalt  }
0x75: {  	_ =	shalt  }
0x76: {  	_ =	shalt  }
0x77: {  	_ =	shalt  }
0x78: {  	_ =	shalt  }
0x79: {  	_ =	shalt  }
0x7a: {  	_ =	shalt  }
0x7b: {  	_ =	shalt  }
0x7c: {  	_ =	shalt  }
0x7d: {  	_ =	shalt  }
0x7e: {  	_ =	shalt  }
0x7f: {  	_ =	shalt  }
0x80: {  	_ =	shalt  }
0x81: {  	_ =	shalt  }
0x82: {  	_ =	shalt  }
0x83: {  	_ =	shalt  }
0x84: {  	_ =	shalt  }
0x85: {  	_ =	shalt  }
0x86: {  	_ =	shalt  }
0x87: {  	_ =	shalt  }
.Lfunc_end0:
.L_simem_size_0:
called_computation.1_lowered:
.L_overlay_start_0:
0x88: {  	s2 =	sld [smem:$0x3FD9]  }
0x89: {  	s3 =	sld [smem:$0x3FFE];
	_ =	sdelay $0x1  }
0x8a: {  	s1 =	srdreg.scid  }
0x8b: {  	s0 =	sand.u32 $0x1, s1  }
0x8c: {  	s16 =	sshll.u32 s0, $0xA;
	s2 =	sadd.s32 s3, s2  }
0x8d: {  	s2 =	sadd.s32 s2, s16  }
0x8e: {  	[smem:$0x3FBB] =	sst s2  }
0x8f: {  	_ = 	snop  }
0x90: {  	(tm) =	ssettm $0x1  }
0x91: {  	s17 =	sld [smem:$0x3FFB];
	_ =	sdelay $0x3  }
0x92: {  	_ =	strace s17  }
0x93: {  	s2 =	sld [smem:$0x3FFC];
	_ =	sdelay $0x3  }
0x94: {  	_ =	strace s2  }
0x95: {  	s2 =	sld [smem:$0x3FFD];
	_ =	sdelay $0x3  }
0x96: {  	_ =	strace s2  }
0x97: {  	_ =	strace $0x8FFFFFFF  }
0x98: {  	s18 =	sld [smem:$0x3FDB];
	_ =	sdelay $0x1  }
0x99: {  	s19 =	simm.s32 $_scs_section_size  }
0x9a: {  	s4 =	simm.s32 $_size__tile_overlayer_lowered;
	s5 =	simm.s32 $_tile_overlayer_lowered  }
0x9b: {  	s22 =	simm.s32 $0x1BFF;
	s21 =	sshll.u32 s5, $0x1;
	s2 =	sadd.s32 s19, s18  }
0x9c: {  	s6 =	simm.s32 $0x0;
	s20 =	sshll.u32 s4, $0x1;
	s4 =	sadd.s32 s21, s2  }
0x9d: {  	[timem:s6], [sflag:s22] =	dma.local [hbm:s4], s20  }
0x9e: {  	_ =	swait.ge [sflag:s22], s20  }
0x9f: {  	s3 =	ssub.s32 $0x0, s20;
	[sflag:s22] =	ssyncset.done $0x0  }
0xa0: {  	[sflag:s22] =	ssyncadd.s32 s3;
	_ =	sdelay $0x1  }
0xa1: {  	s23 =	simm.s32 $0x1B8B  }
0xa2: {  	_ =	swait.ge [sflag:s23], $0x1  }
0xa3: {  	[sflag:s23] =	ssyncset.done $0x0  }
0xa4: {  	s25 =	simm.s32 $0x1B8E;
	s24 =	sld [smem:$0x3FFE];
	[sflag:s23] =	ssyncadd.s32 $0xFFFFFFFF  }
0xa5: {  	s26 =	simm.s32 $execute0_lowered;
	[smem:$0x3FD2] =	sst s25  }
0xa6: {  	s4 =	sshll.u32 s26, $0x1;
	_ =	strace $0x80000049;
	[dreg:$0x1] =	wrdreg $0xFFFFFFFF  }
0xa7: {  	s28 =	simm.s32 $_size_execute0_lowered;
	s2 =	sadd.s32 s2, s4;
	[dreg:$0x0] =	wrdreg $0x0  }
0xa8: {  	s4 =	sshll.u32 s28, $0x1;
	[dreg:$0x2] =	wrdreg s2  }
0xa9: {  	[dreg:$0x3] =	wrdreg s4  }
0xaa: {  	[dreg:$0x4] =	wrdreg $0xC0  }
0xab: {  	_ =	task [dreg:s6], $0x5FFFF  }
0xac: {  	[dreg:$0x1] =	wrdreg $0xFFFFFFFF  }
0xad: {  	[dreg:$0x0] =	wrdreg $0x60  }
0xae: {  	[dreg:$0x2] =	wrdreg s24  }
0xaf: {  	[dreg:$0x3] =	wrdreg $0xFF000  }
0xb0: {  	[dreg:$0x4] =	wrdreg $0x9  }
0xb1: {  	_ =	task.clear_ibuf [dreg:s6], $0x5FFFF;
	_ =	strace $0x90000049  }
0xb2: {  	s29 =	simm.s32 $0x9;
	_ =	strace $0x8000004B  }
0xb3: {  	_ =	swait.ge [sflag:s29], $0x1  }
0xb4: {  	[sflag:s29] =	ssyncadd.s32 $0xFFFFFFFF  }
0xb5: {  	_ =	strace $0x9000004B  }
0xb6: {  	_ =	sfence  }
0xb7: {  	s30 =	sld [smem:$0x0];
	_ =	sdelay $0x2  }
0xb8: {  	s31 =	sshll.u32 s1, $0xD;
	s1 =	sshrl.u32 s1, $0x2  }
0xb9: {  	s3 =	sand.u32 $0x4000, s31;
	s1 =	sadd.s32 s1, s30  }
0xba: {  	s0 =	sor.u32 s3, s0;
	s1 =	sshll.u32 s1, $0x11  }
0xbb: {  	s0 =	sor.u32 s1, s0  }
0xbc: {  	s0 =	sadd.s32 $0x8F2B, s0  }
0xbd: {  	[sflag:s0] =	ssyncadd.remote.s32 $0x1  }
0xbe: {  	_ =	sfence.sel $0xFFFF  }
0xbf: {  	[dreg:$0x0] =	wrdreg $0xFFFFFFFF;
	(pc) =	sbr.abs _section_cstart, $3  }
0xc0: {  	[dreg:$0x1] =	wrdreg $0xFFFFFFFF  }
0xc1: {  	_ =	task.clear_ibuf [dreg:s6], $0x2FFFF;
	_ =	strace $0x9FFFFFFF  }
0xc2: {  	(tm) =	ssettm $0x7FFFFFFF  }
0xc3: {  	_ =	shalt  }
tec
execute0_lowered:
.L_overlay_start_1:
0x0: {  	(tag) =	ssettag $0x1  }
0x1: {  	s0 =	rddreg [dreg:$0x0]  }
0x2: {  	s1 =	rddreg [dreg:$0x1];
	s7 =	stileid.u32  }
0x3: {  	s2 =	srdreg.scid;
	s5 =	smul.u32 $0x9F0, s7  }
0x4: {  	s3 =	simm.s32 $0x0;
	s29 =	simm.s32 $0x3;
	s17 =	smul.u32 $0xA000, s7  }
0x5: {  	s30 =	simm.s32 $0x4;
	s2 =	sand.u32 $0x1, s2;
	s7 =	smul.u32 $0x28000, s7  }
0x6: {  	s31 =	simm.s32 $0x9F00;
	s28 =	simm.s32 $0x2;
	s4 =	smul.u32 $0x13880, s2  }
0x7: {  	[smem:$0x7FF] =	sst s3;
	s16 =	smul.u32 $0xA0000, s2;
	s2 =	ssub.s32 $0x2, s2  }
0x8: {  	_ =	strace $0x8000004A;
	s5 =	sadd.s32 s5, s0;
	s6 =	sshrl.u32 s2, $0x1  }
0x9: {  	s18 =	sshrl.u32 s7, $0x2;
	s20 =	sadd.s32 $0x2000, s17;
	s22 =	sadd.s32 $0x4000, s17  }
0xa: {  	s4 =	sadd.s32 s4, s0;
	s0 =	sadd.s32 $0x3D200, s0;
	s2 =	ssub.s32 s2, s6  }
0xb: {  	s14 =	sadd.s32 $0xC000, s5;
	s15 =	sadd.s32 s16, s17;
	s5 =	sadd.s32 $0x2000, s5  }
0xc: {  	s6 =	sadd.s32 s18, s1;
	s21 =	sadd.s32 s16, s20;
	[dreg:$0x3] =	wrdreg s14  }
0xd: {  	s23 =	sadd.s32 s16, s22;
	s18 =	sadd.s32 $0x6000, s17;
	[dreg:$0x4] =	wrdreg s5  }
0xe: {  	s8 =	sshrl.u32 s15, $0x3;
	s7 =	sadd.s32 $0x16000, s4;
	s9 =	smax.u32 s2, $0x1  }
0xf: {  	s10 =	sadd.s32 $0x2000, s6;
	s11 =	sadd.s32 $0x4000, s6;
	s12 =	sadd.s32 $0x6000, s6  }
0x10: {  	s13 =	sadd.s32 $0x8000, s6;
	s4 =	sshrl.u32 s21, $0x3;
	s21 =	sadd.s32 s17, s1  }
0x11: {  	s2 =	sadd.s32 s20, s1;
	s24 =	sadd.s32 s16, s18;
	s5 =	sadd.s32 s22, s1  }
0x12: {  	s25 =	sadd.s32 s18, s1;
	s18 =	simm.s32 $0x5;
	s20 =	simm.s32 $0xDF00  }
0x13: {  	s19 =	sadd.s32 s0, s8;
	s14 =	sadd.s32 s0, s4;
	s4 =	sshrl.u32 s23, $0x3  }
0x14: {  	s21 =	sshrl.u32 s21, $0x3;
	s22 =	sshrl.u32 s2, $0x3;
	s23 =	sshrl.u32 s5, $0x3  }
0x15: {  	s2 =	simm.s32 $0x1;
	[dreg:$0x5] =	wrdreg s19;
	s15 =	sadd.s32 s0, s4  }
0x16: {  	s19 =	sadd.s32 $0x8000, s17;
	s4 =	sshrl.u32 s24, $0x3;
	s24 =	sshrl.u32 s25, $0x3  }
0x17: {  	s17 =	sadd.s32 s16, s19;
	s16 =	sadd.s32 s0, s4;
	s26 =	sadd.s32 s19, s1  }
0x18: {  	s19 =	simm.s32 $0x4F80;
	s17 =	sshrl.u32 s17, $0x3;
	s25 =	sshrl.u32 s26, $0x3  }
0x19: {  	v0 =	vimm.f32 $0.0e+00;
	s26 =	simm.s32 $0x80;
	s17 =	sadd.s32 s0, s17;
	s0 =	simm.s32 $0xBF00  }
.LBB2_1:
0x1a: {  	s5 =	simm.s32 $0x100;
	s4 =	simm.s32 $0x0  }
.LBB2_2:
0x1b: {  	p0 =	sne.s32 s5, $0x7F00;
	[tilespmem:s4+$0xDF30] =	vst v0;
	s8 =	smov.u32 s5;
	s5 =	sadd.s32 $0x100, s5  }
.Ltmp0:
0x1c: {  	[tilespmem:s4+$0xDF20] =	vst v0;
	(pc) =	sbr.rel @p0 .LBB2_2-.Ltmp0, $3  }
0x1d: {  	[tilespmem:s4+$0xDF00] =	vst v0  }
0x1e: {  	[tilespmem:s4+$0xDF10] =	vst v0;
	_ =	sdelay $0x1  }
0x1f: {  	s4 =	sshra.s32 s8, $0x2  }
0x20: {  	[tilespmem:s4+$0xDF30] =	vst v0  }
0x21: {  	[tilespmem:s4+$0xDF20] =	vst v0  }
0x22: {  	[tilespmem:s4+$0xDF00] =	vst v0  }
0x23: {  	[tilespmem:s4+$0xDF10] =	vst v0;
	s4 =	simm.s32 $0x0;
	s5 =	rddreg [dreg:$0x3]  }
0x24: {  	[tilespmem:s4], [sflag:$0x5] =	stream.linear.gather [hbm4b:s5+s4], $0x4F80, $0x38;
	[tilespmem:$0x19F00] =	vst v63  }
0x25: {  	_ =	swait.ge [sflag:s18], $0x4F80  }
0x26: {  	[sflag:s18] =	ssyncset.done $0x0  }
0x27: {  	s8 =	rddreg [dreg:$0x4];
	[sflag:s18] =	ssyncadd.s32 $0xFFFFB080  }
0x28: {  	[tilespmem:s19], [sflag:$0x5] =	stream.linear.gather [hbm4b:s8+s4], $0x4F80, $0x38;
	[tilespmem:$0x19F00] =	vst v63  }
0x29: {  	_ =	swait.ge [sflag:s18], $0x4F80  }
0x2a: {  	[sflag:s18] =	ssyncset.done $0x0  }
0x2b: {  	[sflag:s18] =	ssyncadd.s32 $0xFFFFB080  }
0x2c: {  	[spmem:s6] =	stream.linear.scatter [tilespmem:s20], [sflag:$0x5], $0x2000, $0x38;
	[tilespmem:$0x19F00] =	vst v63  }
0x2d: {  	_ =	swait.ge [sflag:s18], $0x2000  }
0x2e: {  	[sflag:s18] =	ssyncset.done $0x0  }
0x2f: {  	[sflag:s18] =	ssyncadd.s32 $0xFFFFE000  }
0x30: {  	[spmem:s10] =	stream.linear.scatter [tilespmem:s20], [sflag:$0x5], $0x2000, $0x38;
	[tilespmem:$0x19F00] =	vst v63  }
0x31: {  	_ =	swait.ge [sflag:s18], $0x2000  }
0x32: {  	[sflag:s18] =	ssyncset.done $0x0  }
0x33: {  	[sflag:s18] =	ssyncadd.s32 $0xFFFFE000  }
0x34: {  	[spmem:s11] =	stream.linear.scatter [tilespmem:s20], [sflag:$0x5], $0x2000, $0x38;
	[tilespmem:$0x19F00] =	vst v63  }
0x35: {  	_ =	swait.ge [sflag:s18], $0x2000  }
0x36: {  	[sflag:s18] =	ssyncset.done $0x0  }
0x37: {  	[sflag:s18] =	ssyncadd.s32 $0xFFFFE000  }
0x38: {  	[spmem:s12] =	stream.linear.scatter [tilespmem:s20], [sflag:$0x5], $0x2000, $0x38;
	[tilespmem:$0x19F00] =	vst v63  }
0x39: {  	_ =	swait.ge [sflag:s18], $0x2000  }
0x3a: {  	[sflag:s18] =	ssyncset.done $0x0  }
0x3b: {  	[sflag:s18] =	ssyncadd.s32 $0xFFFFE000  }
0x3c: {  	[spmem:s13] =	stream.linear.scatter [tilespmem:s20], [sflag:$0x5], $0x2000, $0x38;
	[tilespmem:$0x19F00] =	vst v63  }
0x3d: {  	_ =	swait.ge [sflag:s18], $0x2000  }
0x3e: {  	[sflag:s18] =	ssyncset.done $0x0  }
0x3f: {  	[sflag:s18] =	ssyncadd.s32 $0xFFFFE000  }
0x40: {  	[bflag:$0x0] =	sbarrier.arrive $0xFFFF  }
0x41: {  	[spmem:s1] =	stream.indirect.scatter.add.f32 [tilespmem:s20], [sflag:$0x3], $0x40, s19, s26, $0xb8;
	[tilespmem:$0x19F00] =	vst v63  }
0x42: {  	s5 =	simm.s32 $0x5000  }
0x43: {  	[spmem:s1] =	stream.indirect.scatter.add.f32 [tilespmem:s20], [sflag:$0x4], $0x40, s5, s26, $0xb8;
	[tilespmem:$0x19F00] =	vst v63  }
0x44: {  	_ =	swait.ge [sflag:s29], $0x2000  }
0x45: {  	[sflag:s29] =	ssyncset.done $0x0  }
0x46: {  	[sflag:s29] =	ssyncadd.s32 $0xFFFFE000  }
0x47: {  	_ =	swait.ge [sflag:s30], $0x2000  }
0x48: {  	[sflag:s30] =	ssyncset.done $0x0  }
0x49: {  	s8 =	simm.s32 $0x0;
	[sflag:s30] =	ssyncadd.s32 $0xFFFFE000  }
0x4a: {  	[tilespmem:s31], [sflag:$0x1] =	stream.indirect.gather [hbm4b:s7+s26], $0x40, s8, s26, $0xb8;
	[tilespmem:$0x19F00] =	vst v63  }
0x4b: {  	s5 =	simm.s32 $0x80  }
0x4c: {  	[tilespmem:s0], [sflag:$0x2] =	stream.indirect.gather [hbm4b:s7+s26], $0x40, s5, s26, $0xb8;
	[tilespmem:$0x19F00] =	vst v63  }
0x4d: {  	_ =	swait.ge [sflag:s2], $0x2000  }
0x4e: {  	[sflag:s2] =	ssyncset.done $0x0  }
0x4f: {  	s8 =	simm.s32 $0x4F80;
	[sflag:s2] =	ssyncadd.s32 $0xFFFFE000  }
0x50: {  	[spmem:s1] =	stream.indirect.scatter.add.f32 [tilespmem:s31], [sflag:$0x3], $0x40, s8, s26, $0xb8;
	[tilespmem:$0x19F00] =	vst v63  }
0x51: {  	_ =	swait.ge [sflag:s28], $0x2000  }
0x52: {  	[sflag:s28] =	ssyncset.done $0x0  }
0x53: {  	s4 =	simm.s32 $0x400;
	s5 =	simm.s32 $0x5000;
	[sflag:s28] =	ssyncadd.s32 $0xFFFFE000  }
.LBB2_4:
0x54: {  	[spmem:s1] =	stream.indirect.scatter.add.f32 [tilespmem:s0], [sflag:$0x4], $0x40, s5, s26, $0xb8;
	[tilespmem:$0x19F00] =	vst v63  }
0x55: {  	s5 =	smov.u32 s4  }
0x56: {  	p0 =	sne.s32 s4, $0x13800;
	s4 =	sadd.s32 $0x400, s4;
	_ =	swait.ge [sflag:s29], $0x2000  }
0x57: {  	[sflag:s29] =	ssyncset.done $0x0  }
0x58: {  	[sflag:s29] =	ssyncadd.s32 $0xFFFFE000  }
0x59: {  	_ =	swait.ge [sflag:s30], $0x2000  }
0x5a: {  	[sflag:s30] =	ssyncset.done $0x0  }
0x5b: {  	s5 =	sshra.s32 s5, $0x2;
	[sflag:s30] =	ssyncadd.s32 $0xFFFFE000  }
0x5c: {  	[tilespmem:s31], [sflag:$0x1] =	stream.indirect.gather [hbm4b:s7+s26], $0x40, s5, s26, $0xb8;
	[tilespmem:$0x19F00] =	vst v63  }
0x5d: {  	s8 =	sadd.s32 $0x80, s5  }
0x5e: {  	[tilespmem:s0], [sflag:$0x2] =	stream.indirect.gather [hbm4b:s7+s26], $0x40, s8, s26, $0xb8;
	[tilespmem:$0x19F00] =	vst v63  }
0x5f: {  	_ =	swait.ge [sflag:s2], $0x2000  }
0x60: {  	[sflag:s2] =	ssyncset.done $0x0  }
.Ltmp1:
0x61: {  	s8 =	sadd.s32 $0x4F80, s5;
	[sflag:s2] =	ssyncadd.s32 $0xFFFFE000;
	(pc) =	sbr.rel @p0 .LBB2_4-.Ltmp1, $4  }
0x62: {  	[spmem:s1] =	stream.indirect.scatter.add.f32 [tilespmem:s31], [sflag:$0x3], $0x40, s8, s26, $0xb8;
	[tilespmem:$0x19F00] =	vst v63  }
0x63: {  	_ =	swait.ge [sflag:s28], $0x2000  }
0x64: {  	[sflag:s28] =	ssyncset.done $0x0  }
0x65: {  	s5 =	sadd.s32 $0x5000, s5;
	[sflag:s28] =	ssyncadd.s32 $0xFFFFE000  }
0x66: {  	[spmem:s1] =	stream.indirect.scatter.add.f32 [tilespmem:s0], [sflag:$0x4], $0x40, s5, s26, $0xb8;
	[tilespmem:$0x19F00] =	vst v63  }
0x67: {  	_ =	swait.ge [sflag:s29], $0x2000  }
0x68: {  	[sflag:s29] =	ssyncset.done $0x0  }
0x69: {  	[sflag:s29] =	ssyncadd.s32 $0xFFFFE000  }
0x6a: {  	_ =	swait.ge [sflag:s30], $0x2000  }
0x6b: {  	[sflag:s30] =	ssyncset.done $0x0  }
0x6c: {  	s4 =	stileid.u32;
	[sflag:s30] =	ssyncadd.s32 $0xFFFFE000  }
0x6d: {  	s4 =	sshll.u32 s4, $0x6;
	[bflag:$0x0] =	sbarrier.arrive $0xFFFF  }
0x6e: {  	s4 =	sor.u32 $0x1C05, s4;
	s8 =	rddreg [dreg:$0x5]  }
0x6f: {  	[hbm:s8], [sflag:s4] =	dma.local [spmem:s21], $0x400  }
0x70: {  	_ =	swait.ge [sflag:s18], $0x400  }
0x71: {  	[sflag:s18] =	ssyncset.done $0x0  }
0x72: {  	[sflag:s18] =	ssyncadd.s32 $0xFFFFFC00  }
0x73: {  	[hbm:s14], [sflag:s4] =	dma.local [spmem:s22], $0x400  }
0x74: {  	_ =	swait.ge [sflag:s18], $0x400  }
0x75: {  	[sflag:s18] =	ssyncset.done $0x0  }
0x76: {  	[sflag:s18] =	ssyncadd.s32 $0xFFFFFC00  }
0x77: {  	[hbm:s15], [sflag:s4] =	dma.local [spmem:s23], $0x400  }
0x78: {  	_ =	swait.ge [sflag:s18], $0x400  }
0x79: {  	[sflag:s18] =	ssyncset.done $0x0  }
0x7a: {  	[sflag:s18] =	ssyncadd.s32 $0xFFFFFC00  }
0x7b: {  	[hbm:s16], [sflag:s4] =	dma.local [spmem:s24], $0x400  }
0x7c: {  	s3 =	sadd.s32 $0x1, s3;
	_ =	swait.ge [sflag:s18], $0x400  }
0x7d: {  	p0 =	sne.s32 s3, s9;
	[sflag:s18] =	ssyncset.done $0x0  }
.Ltmp2:
0x7e: {  	[sflag:s18] =	ssyncadd.s32 $0xFFFFFC00;
	(pc) =	sbr.rel @p0 .LBB2_1-.Ltmp2, $4  }
0x7f: {  	[hbm:s17], [sflag:s4] =	dma.local [spmem:s25], $0x400  }
0x80: {  	_ =	swait.ge [sflag:s18], $0x400  }
0x81: {  	[sflag:s18] =	ssyncset.done $0x0  }
0x82: {  	[sflag:s18] =	ssyncadd.s32 $0xFFFFFC00  }
0x83: {  	_ =	sfence.sel $0x180000  }
0x84: {  	[bflag:$0x0] =	sbarrier.arrive $0xFFFF  }
0x85: {  	_ =	strace $0x9000004A  }
0x86: {  	s0 =	stileid.u32;
	[bflag:$0x2] =	sbarrier.arrive $0xFFFF  }
0x87: {  	p0 =	sne.s32 s0, $0x0;
	s0 =	rddreg [dreg:$0x2]  }
0x88: {  	s0 =	sadd.s32 @!p0 $0x100000, s0  }
0x89: {  	[sflag:s0] =	ssyncadd.tile.s32 @!p0 $0x1;
	_ =	shalt  }
.Lfunc_end2:
_tile_overlayer_lowered:
.L_overlay_start_2:
0x8a: {  	(tag) =	ssettag $0x2  }
0x8b: {  	s0 =	rddreg [dreg:$0x0];
	s2 =	stileid.u32  }
0x8c: {  	s1 =	rddreg [dreg:$0x1];
	p0 =	sne.s32 s2, $0x0  }
0x8d: {  	s3 =	rddreg [dreg:$0x2];
	[bflag:$0x3] =	sbarrier.arrive $0xFFFF;
	s2 =	simm.s32 @!p0 $0x1C05  }
0x8e: {  	[timem:s3], [sflag:s2] =	dma.local @!p0 [hbm:s0], s1  }
0x8f: {  	s0 =	simm.s32 @!p0 $0x5  }
0x90: {  	_ =	swait.ge @!p0 [sflag:s0], s1  }
0x91: {  	s1 =	ssub.s32 @!p0 $0x0, s1;
	[sflag:s0] =	ssyncset.done @!p0 $0x0  }
0x92: {  	[sflag:s0] =	ssyncadd.s32 @!p0 s1  }
0x93: {  	[bflag:$0x3] =	sbarrier.arrive $0xFFFF  }
0x94: {  	_ =	shalt  }

// kernel: kernel.7.cloned.1.call-start
scs
__scs_entry_jumppad:
0x0: {  	(pc) =	sbr.rel $0x88, $3  }
0x1: {  	(tag) =	ssettag $0x0;
	lr =	simm.s32 $0x1  }
0x2: {  	[smem:$0x3F94] =	sst lr;
	_ =	strace $0xD0000000  }
0x3: {  	_ = 	snop  }
0x4: {  	_ = 	snop  }
0x5: {  	_ = 	snop  }
0x6: {  	_ = 	snop  }
0x7: {  	_ = 	snop  }
__scs_overlays_trampoline_lowered:
0x8: {  	[smem:$0x3FA3] =	sst s0  }
0x9: {  	[smem:$0x3FA4] =	sst s1  }
0xa: {  	[smem:$0x3FA5] =	sst s2  }
0xb: {  	[smem:$0x3FA6] =	sst s3  }
0xc: {  	[smem:$0x3FA7] =	sst s4  }
0xd: {  	[smem:$0x3FA8] =	sst s5  }
0xe: {  	[smem:$0x3FA9] =	sst s6  }
0xf: {  	[smem:$0x3FAA] =	sst s7  }
0x10: {  	[smem:$0x3FAB] =	sst s8  }
0x11: {  	[smem:$0x3FAC] =	sst s9;
	s0 =	simm.s32 @!p0 $0x0  }
0x12: {  	s1 =	sld [smem:$0x3F92];
	s0 =	simm.s32 @p0 $0x1  }
0x13: {  	[smem:$0x3FAD] =	sst s0;
	s0 =	simm.s32 @!p1 $0x0  }
0x14: {  	s2 =	sld [smem:$0x3F91];
	s0 =	simm.s32 @p1 $0x1  }
0x15: {  	[smem:$0x3FAE] =	sst s0;
	s0 =	simm.s32 @!p2 $0x0  }
0x16: {  	s3 =	sld [smem:$0x3FDB];
	s0 =	simm.s32 @p2 $0x1  }
0x17: {  	s4 =	simm.s32 $0x1BF5;
	[smem:$0x3FB0] =	sst s0  }
0x18: {  	s0 =	sld [smem:$0x3F93];
	_ =	swait.ge [sflag:s4], $0x0  }
0x19: {  	s7 =	sld [smem:$0x3F94]  }
0x1a: {  	s8 =	sadd.s32 $0xFFFFE003, lr  }
0x1b: {  	s9 =	sadd.s32 $0xFFFFFEF7, lr;
	s5 =	simm.s32 $0xFFFFFFFF;
	p2 =	slt.u32 s8, $0xFFFFF086  }
0x1c: {  	p1 =	slt.u32 s9, $0xF7A;
	s5 =	simm.s32 @!p2 $0x0  }
0x1d: {  	s5 =	simm.s32 @p1 $0x1;
	p0 =	seq.s32 s7, s2  }
0x1e: {  	s7 =	smul.u32 @!p0 $0xF7A, s2;
	p2 =	seq.s32 @!p0 s5, $0x0  }
0x1f: {  	s9 =	smul.u32 $0xF7A, s1;
	s8 =	simm.s32 @!p0 $0x1BF5;
	p2 =	por !p2, p0  }
0x20: {  	[sflag:s8] =	ssyncset.s32 @!p0 $0xFFFFF086;
	s6 =	sadd.s32 @!p0 s3, s7;
	s7 =	simm.s32 @!p0 $0x108  }
0x21: {  	s3 =	sadd.s32 s3, s9;
	s6 =	sadd.s32 @!p0 $0x88, s6;
	s7 =	simm.s32 @p2 $0x1082  }
0x22: {  	[simem:s7], [sflag:s8] =	dma.local @!p0 [hbm:s6], $0xF7A  }
0x23: {  	s9 =	sor.u32 $0xD0000000, s2;
	s6 =	simm.s32 $0x108;
	_ =	swait.ge @!p0 [sflag:s8], $0x0  }
0x24: {  	s3 =	sadd.s32 $0x88, s3;
	s6 =	simm.s32 @!p1 $0x1082;
	[sflag:s4] =	ssyncset.s32 $0xFFFFF086  }
0x25: {  	[simem:s6], [sflag:s4] =	dma.local [hbm:s3], $0xF7A  }
0x26: {  	[smem:$0x3F94] =	sst s1;
	(tag) =	ssettag s2;
	_ =	strace s9  }
0x27: {  	s1 =	sld [smem:$0x3FA4]  }
0x28: {  	s2 =	sld [smem:$0x3FA5]  }
0x29: {  	s4 =	sld [smem:$0x3FA7]  }
0x2a: {  	p0 =	seq.s32 s5, $0x0;
	s5 =	sld [smem:$0x3FA8]  }
0x2b: {  	s6 =	sld [smem:$0x3FA9]  }
0x2c: {  	s7 =	sld [smem:$0x3FAA]  }
0x2d: {  	s3 =	simm.s32 $0x108;
	s8 =	sld [smem:$0x3FAB]  }
0x2e: {  	s3 =	simm.s32 @!p0 $0x1082;
	s9 =	sld [smem:$0x3FAC]  }
0x2f: {  	lr =	sadd.s32 s0, s3;
	s0 =	sld [smem:$0x3FA3]  }
0x30: {  	s3 =	sld [smem:$0x3FA6]  }
0x31: {  	[smem:$0x3FAF] =	sst s10  }
0x32: {  	s10 =	sld [smem:$0x3FAD];
	_ =	sdelay $0x3  }
0x33: {  	p0 =	seq.s32 s10, $0x1;
	s10 =	sld [smem:$0x3FAF];
	_ =	sdelay $0x3  }
0x34: {  	[smem:$0x3FAF] =	sst s10  }
0x35: {  	s10 =	sld [smem:$0x3FAE];
	_ =	sdelay $0x3  }
0x36: {  	p1 =	seq.s32 s10, $0x1;
	s10 =	sld [smem:$0x3FAF];
	_ =	sdelay $0x3  }
0x37: {  	[smem:$0x3FAF] =	sst s10  }
0x38: {  	s10 =	sld [smem:$0x3FB0]  }
0x39: {  	_ = 	snop;
	(pc) =	sbr.ind lr, $3  }
0x3a: {  	_ = 	snop  }
0x3b: {  	_ = 	snop  }
0x3c: {  	p2 =	seq.s32 s10, $0x1;
	s10 =	sld [smem:$0x3FAF]  }
0x3d: {  	_ =	shalt  }
0x3e: {  	_ =	shalt  }
0x3f: {  	_ =	shalt  }
0x40: {  	_ =	shalt  }
0x41: {  	_ =	shalt  }
0x42: {  	_ =	shalt  }
0x43: {  	_ =	shalt  }
0x44: {  	_ =	shalt  }
0x45: {  	_ =	shalt  }
0x46: {  	_ =	shalt  }
0x47: {  	_ =	shalt  }
0x48: {  	_ =	shalt  }
0x49: {  	_ =	shalt  }
0x4a: {  	_ =	shalt  }
0x4b: {  	_ =	shalt  }
0x4c: {  	_ =	shalt  }
0x4d: {  	_ =	shalt  }
0x4e: {  	_ =	shalt  }
0x4f: {  	_ =	shalt  }
0x50: {  	_ =	shalt  }
0x51: {  	_ =	shalt  }
0x52: {  	_ =	shalt  }
0x53: {  	_ =	shalt  }
0x54: {  	_ =	shalt  }
0x55: {  	_ =	shalt  }
0x56: {  	_ =	shalt  }
0x57: {  	_ =	shalt  }
0x58: {  	_ =	shalt  }
0x59: {  	_ =	shalt  }
0x5a: {  	_ =	shalt  }
0x5b: {  	_ =	shalt  }
0x5c: {  	_ =	shalt  }
0x5d: {  	_ =	shalt  }
0x5e: {  	_ =	shalt  }
0x5f: {  	_ =	shalt  }
0x60: {  	_ =	shalt  }
0x61: {  	_ =	shalt  }
0x62: {  	_ =	shalt  }
0x63: {  	_ =	shalt  }
0x64: {  	_ =	shalt  }
0x65: {  	_ =	shalt  }
0x66: {  	_ =	shalt  }
0x67: {  	_ =	shalt  }
0x68: {  	_ =	shalt  }
0x69: {  	_ =	shalt  }
0x6a: {  	_ =	shalt  }
0x6b: {  	_ =	shalt  }
0x6c: {  	_ =	shalt  }
0x6d: {  	_ =	shalt  }
0x6e: {  	_ =	shalt  }
0x6f: {  	_ =	shalt  }
0x70: {  	_ =	shalt  }
0x71: {  	_ =	shalt  }
0x72: {  	_ =	shalt  }
0x73: {  	_ =	shalt  }
0x74: {  	_ =	shalt  }
0x75: {  	_ =	shalt  }
0x76: {  	_ =	shalt  }
0x77: {  	_ =	shalt  }
0x78: {  	_ =	shalt  }
0x79: {  	_ =	shalt  }
0x7a: {  	_ =	shalt  }
0x7b: {  	_ =	shalt  }
0x7c: {  	_ =	shalt  }
0x7d: {  	_ =	shalt  }
0x7e: {  	_ =	shalt  }
0x7f: {  	_ =	shalt  }
0x80: {  	_ =	shalt  }
0x81: {  	_ =	shalt  }
0x82: {  	_ =	shalt  }
0x83: {  	_ =	shalt  }
0x84: {  	_ =	shalt  }
0x85: {  	_ =	shalt  }
0x86: {  	_ =	shalt  }
0x87: {  	_ =	shalt  }
.Lfunc_end0:
.L_simem_size_0:
called_computation_lowered:
.L_overlay_start_0:
0x88: {  	s2 =	sld [smem:$0x3FD9]  }
0x89: {  	s3 =	sld [smem:$0x3FFE];
	_ =	sdelay $0x1  }
0x8a: {  	s1 =	srdreg.scid  }
0x8b: {  	s0 =	sand.u32 $0x1, s1  }
0x8c: {  	s16 =	sshll.u32 s0, $0xA;
	s2 =	sadd.s32 s3, s2  }
0x8d: {  	s2 =	sadd.s32 s2, s16  }
0x8e: {  	[smem:$0x3FBB] =	sst s2  }
0x8f: {  	_ = 	snop  }
0x90: {  	(tm) =	ssettm $0x1  }
0x91: {  	s17 =	sld [smem:$0x3FFB];
	_ =	sdelay $0x3  }
0x92: {  	_ =	strace s17  }
0x93: {  	s2 =	sld [smem:$0x3FFC];
	_ =	sdelay $0x3  }
0x94: {  	_ =	strace s2  }
0x95: {  	s2 =	sld [smem:$0x3FFD];
	_ =	sdelay $0x3  }
0x96: {  	_ =	strace s2  }
0x97: {  	_ =	strace $0x8FFFFFFF  }
0x98: {  	s18 =	sld [smem:$0x3FDB];
	_ =	sdelay $0x1  }
0x99: {  	s19 =	simm.s32 $_scs_section_size  }
0x9a: {  	s4 =	simm.s32 $_size__tile_overlayer_lowered;
	s5 =	simm.s32 $_tile_overlayer_lowered  }
0x9b: {  	s22 =	simm.s32 $0x1BFF;
	s21 =	sshll.u32 s5, $0x1;
	s2 =	sadd.s32 s19, s18  }
0x9c: {  	s6 =	simm.s32 $0x0;
	s20 =	sshll.u32 s4, $0x1;
	s4 =	sadd.s32 s21, s2  }
0x9d: {  	[timem:s6], [sflag:s22] =	dma.local [hbm:s4], s20  }
0x9e: {  	_ =	swait.ge [sflag:s22], s20  }
0x9f: {  	s3 =	ssub.s32 $0x0, s20;
	[sflag:s22] =	ssyncset.done $0x0  }
0xa0: {  	[sflag:s22] =	ssyncadd.s32 s3;
	_ =	sdelay $0x1  }
0xa1: {  	s23 =	simm.s32 $0x1B8B  }
0xa2: {  	_ =	swait.ge [sflag:s23], $0x1  }
0xa3: {  	[sflag:s23] =	ssyncset.done $0x0  }
0xa4: {  	s25 =	simm.s32 $0x1B8E;
	s24 =	sld [smem:$0x3FFE];
	[sflag:s23] =	ssyncadd.s32 $0xFFFFFFFF  }
0xa5: {  	s26 =	simm.s32 $execute0_lowered;
	[smem:$0x3FD2] =	sst s25  }
0xa6: {  	s4 =	sshll.u32 s26, $0x1;
	_ =	strace $0x80000046;
	[dreg:$0x1] =	wrdreg $0xFFFFFFFF  }
0xa7: {  	s28 =	simm.s32 $_size_execute0_lowered;
	s2 =	sadd.s32 s2, s4;
	[dreg:$0x0] =	wrdreg $0x0  }
0xa8: {  	s4 =	sshll.u32 s28, $0x1;
	[dreg:$0x2] =	wrdreg s2  }
0xa9: {  	[dreg:$0x3] =	wrdreg s4  }
0xaa: {  	[dreg:$0x4] =	wrdreg $0xC0  }
0xab: {  	_ =	task [dreg:s6], $0x5FFFF  }
0xac: {  	[dreg:$0x1] =	wrdreg $0xFFFFFFFF  }
0xad: {  	[dreg:$0x0] =	wrdreg $0x60  }
0xae: {  	[dreg:$0x2] =	wrdreg s24  }
0xaf: {  	[dreg:$0x3] =	wrdreg $0xFF000  }
0xb0: {  	[dreg:$0x4] =	wrdreg $0x1AF000  }
0xb1: {  	[dreg:$0x5] =	wrdreg $0x9  }
0xb2: {  	_ =	task.clear_ibuf [dreg:s6], $0x6FFFF;
	_ =	strace $0x90000046  }
0xb3: {  	s29 =	simm.s32 $0x9;
	_ =	strace $0x80000048  }
0xb4: {  	_ =	swait.ge [sflag:s29], $0x1  }
0xb5: {  	[sflag:s29] =	ssyncadd.s32 $0xFFFFFFFF  }
0xb6: {  	_ =	strace $0x90000048  }
0xb7: {  	_ =	sfence  }
0xb8: {  	s30 =	sld [smem:$0x0];
	_ =	sdelay $0x2  }
0xb9: {  	s31 =	sshll.u32 s1, $0xD;
	s1 =	sshrl.u32 s1, $0x2  }
0xba: {  	s3 =	sand.u32 $0x4000, s31;
	s1 =	sadd.s32 s1, s30  }
0xbb: {  	s0 =	sor.u32 s3, s0;
	s1 =	sshll.u32 s1, $0x11  }
0xbc: {  	s0 =	sor.u32 s1, s0  }
0xbd: {  	s0 =	sadd.s32 $0x8F2B, s0  }
0xbe: {  	[sflag:s0] =	ssyncadd.remote.s32 $0x1  }
0xbf: {  	_ =	sfence.sel $0xFFFF  }
0xc0: {  	[dreg:$0x0] =	wrdreg $0xFFFFFFFF;
	(pc) =	sbr.abs _section_cstart, $3  }
0xc1: {  	[dreg:$0x1] =	wrdreg $0xFFFFFFFF  }
0xc2: {  	_ =	task.clear_ibuf [dreg:s6], $0x2FFFF;
	_ =	strace $0x9FFFFFFF  }
0xc3: {  	(tm) =	ssettm $0x7FFFFFFF  }
tec
execute0_lowered:
.L_overlay_start_1:
0x0: {  	(tag) =	ssettag $0x1  }
0x1: {  	s0 =	rddreg [dreg:$0x0];
	s13 =	stileid.u32  }
0x2: {  	s1 =	rddreg [dreg:$0x1];
	s6 =	smul.u32 $0x9F0, s13  }
0x3: {  	s2 =	srdreg.scid;
	s8 =	smul.u32 $0x2800, s13  }
0x4: {  	s3 =	rddreg [dreg:$0x2];
	s11 =	smul.u32 $0x280, s13  }
0x5: {  	s4 =	simm.s32 $0x0;
	s2 =	sand.u32 $0x1, s2;
	s12 =	smul.u32 $0xA000, s13  }
0x6: {  	[smem:$0x7FF] =	sst s4;
	s9 =	sadd.s32 $0x42200, s0;
	s21 =	smul.u32 $0x28000, s13  }
0x7: {  	s5 =	smul.u32 $0x13880, s2;
	_ =	strace $0x80000047;
	s10 =	ssub.s32 $0x2, s2  }
0x8: {  	s22 =	smul.u32 $0xA0000, s2;
	p0 =	sne.s32 s2, $0x0;
	s6 =	sadd.s32 s6, s0  }
0x9: {  	s7 =	sshrl.u32 s8, $0x3;
	s19 =	sshrl.u32 s10, $0x1;
	s26 =	sshrl.u32 s12, $0x2  }
0xa: {  	s14 =	sadd.s32 $0x6000, s12;
	s15 =	sadd.s32 $0x8000, s12;
	s5 =	sadd.s32 s5, s0  }
0xb: {  	s0 =	sadd.s32 s7, s0;
	s10 =	ssub.s32 s10, s19;
	s20 =	sadd.s32 $0xC000, s6  }
0xc: {  	s6 =	sadd.s32 $0x2000, s6;
	s24 =	sadd.s32 s22, s12;
	[dreg:$0x4] =	wrdreg s20  }
0xd: {  	s16 =	sadd.s32 s22, s14;
	[dreg:$0x5] =	wrdreg s6;
	s7 =	sadd.s32 $0x16000, s5  }
0xe: {  	s0 =	sadd.s32 $0x3D200, s0;
	s23 =	smax.u32 s10, $0x1;
	s5 =	sshrl.u32 s21, $0x2  }
0xf: {  	s6 =	sadd.s32 s22, s15;
	s19 =	sshrl.u32 s16, $0x3;
	s20 =	sadd.s32 $0x80, s11  }
0x10: {  	s21 =	sadd.s32 s26, s3;
	s26 =	sadd.s32 $0x180, s11;
	[dreg:$0x6] =	wrdreg s0  }
0x11: {  	s0 =	sadd.s32 s8, s3;
	[dreg:$0x7] =	wrdreg s23;
	s8 =	sadd.s32 $0x2000, s12  }
0x12: {  	s5 =	sadd.s32 s5, s1;
	s6 =	sshrl.u32 s6, $0x3;
	[dreg:$0xe] =	wrdreg s21  }
0x13: {  	s23 =	sshll.u32 s20, $0x4;
	s13 =	sshll.u32 s26, $0x4;
	[dreg:$0x8] =	wrdreg s5  }
0x14: {  	s25 =	sadd.s32 s22, s8;
	s5 =	sshrl.u32 s24, $0x3;
	s6 =	sadd.s32 s9, s6  }
0x15: {  	s24 =	sadd.s32 $0x100, s11;
	s11 =	sadd.s32 $0x200, s11;
	s31 =	sshrl.u32 @!p0 s0, $0x3  }
0x16: {  	s0 =	simm.s32 $0x5;
	s10 =	sshrl.u32 s25, $0x3;
	s5 =	sadd.s32 s9, s5  }
0x17: {  	[dreg:$0xd] =	wrdreg s6;
	s25 =	sshll.u32 s24, $0x6;
	s6 =	sshll.u32 s24, $0x4  }
0x18: {  	[dreg:$0x9] =	wrdreg s5;
	s17 =	sadd.s32 s9, s10;
	s5 =	sadd.s32 $0x4000, s12  }
0x19: {  	s16 =	sshll.u32 s11, $0x6;
	[dreg:$0xa] =	wrdreg s17;
	s18 =	sadd.s32 s22, s5  }
0x1a: {  	s22 =	sshll.u32 s20, $0x6;
	s17 =	sadd.s32 s12, s1;
	s5 =	sadd.s32 s5, s1  }
0x1b: {  	s20 =	sadd.s32 s15, s1;
	s12 =	simm.s32 $0x9F00;
	s15 =	simm.s32 $0x1A700  }
0x1c: {  	s10 =	sshrl.u32 s18, $0x3;
	s2 =	sadd.s32 s22, s1;
	s22 =	sadd.s32 s13, s3  }
0x1d: {  	s18 =	sadd.s32 s8, s1;
	s28 =	sshrl.u32 s5, $0x3;
	s30 =	sshrl.u32 s20, $0x3  }
0x1e: {  	s5 =	simm.s32 $0xDF00;
	s8 =	simm.s32 $0x80;
	s13 =	simm.s32 $0xBF00  }
0x1f: {  	s10 =	sadd.s32 s9, s10;
	[dreg:$0xf] =	wrdreg s2;
	s2 =	sadd.s32 s23, s3  }
0x20: {  	s23 =	sadd.s32 s16, s1;
	s16 =	simm.s32 $0x2;
	[dreg:$0xb] =	wrdreg s10  }
0x21: {  	s10 =	sadd.s32 s9, s19;
	[dreg:$0x10] =	wrdreg s2;
	s2 =	sadd.s32 s25, s1  }
0x22: {  	s19 =	sadd.s32 s14, s1;
	s25 =	sshrl.u32 s17, $0x3;
	[dreg:$0xc] =	wrdreg s10  }
0x23: {  	s9 =	simm.s32 $0x5000;
	s14 =	simm.s32 $0x1;
	[dreg:$0x11] =	wrdreg s2  }
0x24: {  	s10 =	sshll.u32 s26, $0x6;
	s2 =	sadd.s32 s6, s3;
	s26 =	sshrl.u32 s18, $0x3  }
0x25: {  	s29 =	sshrl.u32 s19, $0x3;
	s6 =	simm.s32 $0x19F00;
	[dreg:$0x12] =	wrdreg s2  }
0x26: {  	s21 =	sadd.s32 s10, s1;
	s2 =	sshll.u32 s11, $0x4;
	s10 =	simm.s32 $0x3  }
0x27: {  	v0 =	vimm.f32 $0.0e+00;
	v1 =	vimm.f32 $1.000000000e+00;
	s11 =	simm.s32 $0x4;
	s24 =	sadd.s32 s2, s3;
	s2 =	simm.s32 $0x4F80  }
.LBB2_1:
0x28: {  	s17 =	simm.s32 $0xDF20  }
0x29: {  	[tilespmem:s17+$0xFFFFFFE0] =	vst v0  }
0x2a: {  	[tilespmem:s17+$0x10] =	vst v0  }
0x2b: {  	[tilespmem:s17+$0x0] =	vst v0  }
0x2c: {  	s18 =	simm.s32 $0x40;
	s19 =	simm.s32 $0x0;
	[tilespmem:s17+$0xFFFFFFF0] =	vst v0  }
.LBB2_2:
0x2d: {  	p1 =	sne.s32 s18, $0x1FC0  }
0x2e: {  	[tilespmem:s19+$0x19F00] =	vst v0;
	s17 =	sadd.s32 $0x40, s17;
	s20 =	smov.u32 s18;
	s18 =	sadd.s32 $0x40, s18  }
.Ltmp0:
0x2f: {  	[tilespmem:s19+$0x1A700] =	vst v1;
	(pc) =	sbr.rel @p1 .LBB2_2-.Ltmp0, $4  }
0x30: {  	[tilespmem:s17+$0xFFFFFFE0] =	vst v0  }
0x31: {  	[tilespmem:s17+$0x10] =	vst v0  }
0x32: {  	[tilespmem:s17+$0x0] =	vst v0  }
0x33: {  	s19 =	sshra.s32 s20, $0x2;
	[tilespmem:s17+$0xFFFFFFF0] =	vst v0  }
0x34: {  	[tilespmem:s19+$0x19F00] =	vst v0  }
0x35: {  	[tilespmem:s19+$0x1A700] =	vst v1;
	s17 =	simm.s32 $0x0;
	s18 =	rddreg [dreg:$0x4]  }
0x36: {  	[tilespmem:s17], [sflag:$0x5] =	stream.linear.gather [hbm4b:s18+s17], $0x4F80, $0x38;
	[tilespmem:$0x1D700] =	vst v63  }
0x37: {  	_ =	swait.ge [sflag:s0], $0x4F80  }
0x38: {  	[sflag:s0] =	ssyncset.done $0x0  }
0x39: {  	s20 =	rddreg [dreg:$0x5];
	[sflag:s0] =	ssyncadd.s32 $0xFFFFB080  }
0x3a: {  	[tilespmem:s2], [sflag:$0x5] =	stream.linear.gather [hbm4b:s20+s17], $0x4F80, $0x38;
	[tilespmem:$0x1D700] =	vst v63  }
0x3b: {  	_ =	swait.ge [sflag:s0], $0x4F80  }
0x3c: {  	[sflag:s0] =	ssyncset.done $0x0  }
0x3d: {  	s18 =	rddreg [dreg:$0x8];
	[sflag:s0] =	ssyncadd.s32 $0xFFFFB080  }
0x3e: {  	[spmem:s18] =	stream.linear.scatter [tilespmem:s5], [sflag:$0x5], $0x2000, $0x38;
	[tilespmem:$0x1D700] =	vst v63  }
0x3f: {  	_ =	swait.ge [sflag:s0], $0x2000  }
0x40: {  	[sflag:s0] =	ssyncset.done $0x0  }
0x41: {  	s19 =	rddreg [dreg:$0xe];
	[sflag:s0] =	ssyncadd.s32 $0xFFFFE000  }
0x42: {  	[spmem:s19] =	stream.linear.scatter [tilespmem:s6], [sflag:$0x5], $0x800, $0x38;
	[tilespmem:$0x1D700] =	vst v63  }
0x43: {  	_ =	swait.ge [sflag:s0], $0x800  }
0x44: {  	[sflag:s0] =	ssyncset.done $0x0  }
0x45: {  	s20 =	rddreg [dreg:$0xf];
	[sflag:s0] =	ssyncadd.s32 $0xFFFFF800  }
0x46: {  	[spmem:s20] =	stream.linear.scatter [tilespmem:s5], [sflag:$0x5], $0x2000, $0x38;
	[tilespmem:$0x1D700] =	vst v63  }
0x47: {  	_ =	swait.ge [sflag:s0], $0x2000  }
0x48: {  	[sflag:s0] =	ssyncset.done $0x0  }
0x49: {  	s18 =	rddreg [dreg:$0x10];
	[sflag:s0] =	ssyncadd.s32 $0xFFFFE000  }
0x4a: {  	[spmem:s18] =	stream.linear.scatter [tilespmem:s6], [sflag:$0x5], $0x800, $0x38;
	[tilespmem:$0x1D700] =	vst v63  }
0x4b: {  	_ =	swait.ge [sflag:s0], $0x800  }
0x4c: {  	[sflag:s0] =	ssyncset.done $0x0  }
0x4d: {  	s19 =	rddreg [dreg:$0x11];
	[sflag:s0] =	ssyncadd.s32 $0xFFFFF800  }
0x4e: {  	[spmem:s19] =	stream.linear.scatter [tilespmem:s5], [sflag:$0x5], $0x2000, $0x38;
	[tilespmem:$0x1D700] =	vst v63  }
0x4f: {  	_ =	swait.ge [sflag:s0], $0x2000  }
0x50: {  	[sflag:s0] =	ssyncset.done $0x0  }
0x51: {  	s20 =	rddreg [dreg:$0x12];
	[sflag:s0] =	ssyncadd.s32 $0xFFFFE000  }
0x52: {  	[spmem:s20] =	stream.linear.scatter [tilespmem:s6], [sflag:$0x5], $0x800, $0x38;
	[tilespmem:$0x1D700] =	vst v63  }
0x53: {  	_ =	swait.ge [sflag:s0], $0x800  }
0x54: {  	[sflag:s0] =	ssyncset.done $0x0  }
0x55: {  	[sflag:s0] =	ssyncadd.s32 $0xFFFFF800  }
0x56: {  	[spmem:s21] =	stream.linear.scatter [tilespmem:s5], [sflag:$0x5], $0x2000, $0x38;
	[tilespmem:$0x1D700] =	vst v63  }
0x57: {  	_ =	swait.ge [sflag:s0], $0x2000  }
0x58: {  	[sflag:s0] =	ssyncset.done $0x0  }
0x59: {  	[sflag:s0] =	ssyncadd.s32 $0xFFFFE000  }
0x5a: {  	[spmem:s22] =	stream.linear.scatter [tilespmem:s6], [sflag:$0x5], $0x800, $0x38;
	[tilespmem:$0x1D700] =	vst v63  }
0x5b: {  	_ =	swait.ge [sflag:s0], $0x800  }
0x5c: {  	[sflag:s0] =	ssyncset.done $0x0  }
0x5d: {  	[sflag:s0] =	ssyncadd.s32 $0xFFFFF800  }
0x5e: {  	[spmem:s23] =	stream.linear.scatter [tilespmem:s5], [sflag:$0x5], $0x2000, $0x38;
	[tilespmem:$0x1D700] =	vst v63  }
0x5f: {  	_ =	swait.ge [sflag:s0], $0x2000  }
0x60: {  	[sflag:s0] =	ssyncset.done $0x0  }
0x61: {  	[sflag:s0] =	ssyncadd.s32 $0xFFFFE000  }
0x62: {  	[spmem:s24] =	stream.linear.scatter [tilespmem:s6], [sflag:$0x5], $0x800, $0x38;
	[tilespmem:$0x1D700] =	vst v63  }
0x63: {  	_ =	swait.ge [sflag:s0], $0x800  }
0x64: {  	[sflag:s0] =	ssyncset.done $0x0  }
0x65: {  	[sflag:s0] =	ssyncadd.s32 $0xFFFFF800  }
0x66: {  	[bflag:$0x0] =	sbarrier.arrive $0xFFFF  }
0x67: {  	[spmem:s1] =	stream.indirect.scatter.add.f32 [tilespmem:s5], [sflag:$0x3], $0x40, s2, s8, $0xb8;
	[tilespmem:$0x1D700] =	vst v63  }
0x68: {  	_ = 	snop  }
0x69: {  	[spmem:s3] =	stream.indirect.scatter.add.f32 [tilespmem:s6], [sflag:$0x3], $0x10, s2, s8, $0xb8;
	[tilespmem:$0x1D700] =	vst v63  }
0x6a: {  	_ = 	snop  }
0x6b: {  	[spmem:s1] =	stream.indirect.scatter.add.f32 [tilespmem:s5], [sflag:$0x4], $0x40, s9, s8, $0xb8;
	[tilespmem:$0x1D700] =	vst v63  }
0x6c: {  	_ = 	snop  }
0x6d: {  	[spmem:s3] =	stream.indirect.scatter.add.f32 [tilespmem:s6], [sflag:$0x4], $0x10, s9, s8, $0xb8;
	[tilespmem:$0x1D700] =	vst v63  }
0x6e: {  	_ =	swait.ge [sflag:s10], $0x2000  }
0x6f: {  	[sflag:s10] =	ssyncset.done $0x0  }
0x70: {  	[sflag:s10] =	ssyncadd.s32 $0xFFFFE000  }
0x71: {  	_ =	swait.ge [sflag:s10], $0x800  }
0x72: {  	[sflag:s10] =	ssyncset.done $0x0  }
0x73: {  	[sflag:s10] =	ssyncadd.s32 $0xFFFFF800  }
0x74: {  	_ =	swait.ge [sflag:s11], $0x2000  }
0x75: {  	[sflag:s11] =	ssyncset.done $0x0  }
0x76: {  	[sflag:s11] =	ssyncadd.s32 $0xFFFFE000  }
0x77: {  	_ =	swait.ge [sflag:s11], $0x800  }
0x78: {  	[sflag:s11] =	ssyncset.done $0x0  }
0x79: {  	s18 =	simm.s32 $0x0;
	[sflag:s11] =	ssyncadd.s32 $0xFFFFF800  }
0x7a: {  	[tilespmem:s12], [sflag:$0x1] =	stream.indirect.gather [hbm4b:s7+s8], $0x40, s18, s8, $0xb8;
	[tilespmem:$0x1D700] =	vst v63  }
0x7b: {  	s19 =	simm.s32 $0x80  }
0x7c: {  	[tilespmem:s13], [sflag:$0x2] =	stream.indirect.gather [hbm4b:s7+s8], $0x40, s19, s8, $0xb8;
	[tilespmem:$0x1D700] =	vst v63  }
0x7d: {  	_ =	swait.ge [sflag:s14], $0x2000  }
0x7e: {  	[sflag:s14] =	ssyncset.done $0x0  }
0x7f: {  	s20 =	simm.s32 $0x4F80;
	[sflag:s14] =	ssyncadd.s32 $0xFFFFE000  }
0x80: {  	[spmem:s1] =	stream.indirect.scatter.add.f32 [tilespmem:s12], [sflag:$0x3], $0x40, s20, s8, $0xb8;
	[tilespmem:$0x1D700] =	vst v63  }
0x81: {  	_ = 	snop  }
0x82: {  	[spmem:s3] =	stream.indirect.scatter.add.f32 [tilespmem:s15], [sflag:$0x3], $0x10, s20, s8, $0xb8;
	[tilespmem:$0x1D700] =	vst v63  }
0x83: {  	_ =	swait.ge [sflag:s16], $0x2000  }
0x84: {  	[sflag:s16] =	ssyncset.done $0x0  }
0x85: {  	s17 =	simm.s32 $0x400;
	s18 =	simm.s32 $0x5000;
	[sflag:s16] =	ssyncadd.s32 $0xFFFFE000  }
0x86: {  	[spmem:s1] =	stream.indirect.scatter.add.f32 [tilespmem:s13], [sflag:$0x4], $0x40, s18, s8, $0xb8;
	[tilespmem:$0x1D700] =	vst v63  }
.LBB2_4:
0x87: {  	[spmem:s3] =	stream.indirect.scatter.add.f32 [tilespmem:s15], [sflag:$0x4], $0x10, s18, s8, $0xb8;
	[tilespmem:$0x1D700] =	vst v63  }
0x88: {  	s18 =	smov.u32 s17  }
0x89: {  	p1 =	sne.s32 s17, $0x13800;
	s17 =	sadd.s32 $0x400, s17;
	_ =	swait.ge [sflag:s10], $0x2000  }
0x8a: {  	[sflag:s10] =	ssyncset.done $0x0  }
0x8b: {  	[sflag:s10] =	ssyncadd.s32 $0xFFFFE000  }
0x8c: {  	_ =	swait.ge [sflag:s10], $0x800  }
0x8d: {  	[sflag:s10] =	ssyncset.done $0x0  }
0x8e: {  	[sflag:s10] =	ssyncadd.s32 $0xFFFFF800  }
0x8f: {  	_ =	swait.ge [sflag:s11], $0x2000  }
0x90: {  	[sflag:s11] =	ssyncset.done $0x0  }
0x91: {  	[sflag:s11] =	ssyncadd.s32 $0xFFFFE000  }
0x92: {  	_ =	swait.ge [sflag:s11], $0x800  }
0x93: {  	[sflag:s11] =	ssyncset.done $0x0  }
0x94: {  	s18 =	sshra.s32 s18, $0x2;
	[sflag:s11] =	ssyncadd.s32 $0xFFFFF800  }
0x95: {  	[tilespmem:s12], [sflag:$0x1] =	stream.indirect.gather [hbm4b:s7+s8], $0x40, s18, s8, $0xb8;
	[tilespmem:$0x1D700] =	vst v63  }
0x96: {  	s19 =	sadd.s32 $0x80, s18  }
0x97: {  	[tilespmem:s13], [sflag:$0x2] =	stream.indirect.gather [hbm4b:s7+s8], $0x40, s19, s8, $0xb8;
	[tilespmem:$0x1D700] =	vst v63  }
0x98: {  	_ =	swait.ge [sflag:s14], $0x2000  }
0x99: {  	[sflag:s14] =	ssyncset.done $0x0  }
0x9a: {  	s19 =	sadd.s32 $0x4F80, s18;
	[sflag:s14] =	ssyncadd.s32 $0xFFFFE000  }
0x9b: {  	[spmem:s1] =	stream.indirect.scatter.add.f32 [tilespmem:s12], [sflag:$0x3], $0x40, s19, s8, $0xb8;
	[tilespmem:$0x1D700] =	vst v63  }
0x9c: {  	_ = 	snop  }
0x9d: {  	[spmem:s3] =	stream.indirect.scatter.add.f32 [tilespmem:s15], [sflag:$0x3], $0x10, s19, s8, $0xb8;
	[tilespmem:$0x1D700] =	vst v63  }
.Ltmp1:
0x9e: {  	_ = 	snop;
	(pc) =	sbr.rel @p1 .LBB2_4-.Ltmp1, $4  }
0x9f: {  	_ =	swait.ge [sflag:s16], $0x2000  }
0xa0: {  	[sflag:s16] =	ssyncset.done $0x0  }
0xa1: {  	s18 =	sadd.s32 $0x5000, s18;
	[sflag:s16] =	ssyncadd.s32 $0xFFFFE000  }
0xa2: {  	[spmem:s1] =	stream.indirect.scatter.add.f32 [tilespmem:s13], [sflag:$0x4], $0x40, s18, s8, $0xb8;
	[tilespmem:$0x1D700] =	vst v63  }
0xa3: {  	[spmem:s3] =	stream.indirect.scatter.add.f32 [tilespmem:s15], [sflag:$0x4], $0x10, s18, s8, $0xb8;
	[tilespmem:$0x1D700] =	vst v63  }
0xa4: {  	_ =	swait.ge [sflag:s10], $0x2000  }
0xa5: {  	[sflag:s10] =	ssyncset.done $0x0  }
0xa6: {  	[sflag:s10] =	ssyncadd.s32 $0xFFFFE000  }
0xa7: {  	_ =	swait.ge [sflag:s10], $0x800  }
0xa8: {  	[sflag:s10] =	ssyncset.done $0x0  }
0xa9: {  	[sflag:s10] =	ssyncadd.s32 $0xFFFFF800  }
0xaa: {  	_ =	swait.ge [sflag:s11], $0x2000  }
0xab: {  	[sflag:s11] =	ssyncset.done $0x0  }
0xac: {  	[sflag:s11] =	ssyncadd.s32 $0xFFFFE000  }
0xad: {  	_ =	swait.ge [sflag:s11], $0x800  }
0xae: {  	[sflag:s11] =	ssyncset.done $0x0  }
0xaf: {  	s17 =	stileid.u32;
	[sflag:s11] =	ssyncadd.s32 $0xFFFFF800  }
0xb0: {  	s17 =	sshll.u32 s17, $0x6;
	[bflag:$0x0] =	sbarrier.arrive $0xFFFF  }
0xb1: {  	s17 =	sor.u32 $0x1C05, s17;
	s19 =	rddreg [dreg:$0x9]  }
0xb2: {  	[hbm:s19], [sflag:s17] =	dma.local [spmem:s25], $0x400  }
0xb3: {  	_ =	swait.ge [sflag:s0], $0x400  }
0xb4: {  	[sflag:s0] =	ssyncset.done $0x0  }
0xb5: {  	s20 =	rddreg [dreg:$0xa];
	[sflag:s0] =	ssyncadd.s32 $0xFFFFFC00  }
0xb6: {  	[hbm:s20], [sflag:s17] =	dma.local [spmem:s26], $0x400  }
0xb7: {  	_ =	swait.ge [sflag:s0], $0x400  }
0xb8: {  	[sflag:s0] =	ssyncset.done $0x0  }
0xb9: {  	s19 =	rddreg [dreg:$0xb];
	[sflag:s0] =	ssyncadd.s32 $0xFFFFFC00  }
0xba: {  	[hbm:s19], [sflag:s17] =	dma.local [spmem:s28], $0x400  }
0xbb: {  	_ =	swait.ge [sflag:s0], $0x400  }
0xbc: {  	[sflag:s0] =	ssyncset.done $0x0  }
0xbd: {  	s20 =	rddreg [dreg:$0xc];
	[sflag:s0] =	ssyncadd.s32 $0xFFFFFC00  }
0xbe: {  	[hbm:s20], [sflag:s17] =	dma.local [spmem:s29], $0x400  }
0xbf: {  	_ =	swait.ge [sflag:s0], $0x400  }
0xc0: {  	[sflag:s0] =	ssyncset.done $0x0  }
0xc1: {  	s19 =	rddreg [dreg:$0xd];
	[sflag:s0] =	ssyncadd.s32 $0xFFFFFC00  }
0xc2: {  	[hbm:s19], [sflag:s17] =	dma.local [spmem:s30], $0x400  }
0xc3: {  	_ =	swait.ge [sflag:s0], $0x400  }
0xc4: {  	[sflag:s0] =	ssyncset.done $0x0  }
0xc5: {  	s18 =	rddreg [dreg:$0x6];
	[sflag:s0] =	ssyncadd.s32 $0xFFFFFC00  }
0xc6: {  	[hbm:s18], [sflag:s17] =	dma.local @!p0 [spmem:s31], $0x500  }
0xc7: {  	s17 =	simm.s32 @!p0 $0x5  }
0xc8: {  	_ =	swait.ge @!p0 [sflag:s17], $0x500  }
0xc9: {  	s4 =	sadd.s32 $0x1, s4;
	s20 =	rddreg [dreg:$0x7]  }
0xca: {  	p1 =	sne.s32 s4, s20  }
.Ltmp2:
0xcb: {  	_ = 	snop;
	(pc) =	sbr.rel @p1 .LBB2_1-.Ltmp2, $3  }
0xcc: {  	_ =	sdelay $0x1  }
0xcd: {  	[sflag:s17] =	ssyncset.done @!p0 $0x0  }
0xce: {  	[sflag:s17] =	ssyncadd.s32 @!p0 $0xFFFFFB00  }
0xcf: {  	_ =	sfence.sel $0x180000  }
0xd0: {  	[bflag:$0x0] =	sbarrier.arrive $0xFFFF  }
0xd1: {  	_ =	strace $0x90000047  }
0xd2: {  	s0 =	stileid.u32;
	[bflag:$0x2] =	sbarrier.arrive $0xFFFF  }
0xd3: {  	p0 =	sne.s32 s0, $0x0;
	s0 =	rddreg [dreg:$0x3]  }
0xd4: {  	s0 =	sadd.s32 @!p0 $0x100000, s0  }
0xd5: {  	[sflag:s0] =	ssyncadd.tile.s32 @!p0 $0x1;
	_ =	shalt  }
.Lfunc_end2:
_tile_overlayer_lowered:
.L_overlay_start_2:
0xd6: {  	(tag) =	ssettag $0x2  }
0xd7: {  	s0 =	rddreg [dreg:$0x0];
	s2 =	stileid.u32  }
0xd8: {  	s1 =	rddreg [dreg:$0x1];
	p0 =	sne.s32 s2, $0x0  }
0xd9: {  	s3 =	rddreg [dreg:$0x2];
	[bflag:$0x3] =	sbarrier.arrive $0xFFFF;
	s2 =	simm.s32 @!p0 $0x1C05  }
0xda: {  	[timem:s3], [sflag:s2] =	dma.local @!p0 [hbm:s0], s1  }
0xdb: {  	s0 =	simm.s32 @!p0 $0x5  }
0xdc: {  	_ =	swait.ge @!p0 [sflag:s0], s1  }
0xdd: {  	s1 =	ssub.s32 @!p0 $0x0, s1;
	[sflag:s0] =	ssyncset.done @!p0 $0x0  }
0xde: {  	[sflag:s0] =	ssyncadd.s32 @!p0 s1  }
0xdf: {  	[bflag:$0x3] =	sbarrier.arrive $0xFFFF  }
0xe0: {  	_ =	shalt  }

</sc_bundles>
